<compile_context>
chip_gen: v7x
topology: tpu7x:2x2x1
jax: 0.10.2.dev20260603
libtpu: 0.0.44.dev20260713+nightly
codegen_flags: <defaults>
</compile_context>

<pallas_src>
import functools

import jax
import jax.numpy as jnp
from jax import lax
from jax.experimental import pallas as pl
from jax.experimental.pallas import tpu as pltpu
from jax.experimental.pallas import tpu_sc as plsc

N_ROWS = 8192
D = 4096
TOPK = 16
BLOCK_ROWS = 512
N_BLOCKS = N_ROWS // BLOCK_ROWS
INV_TEMP = 10.0
CHUNKS_PER_ROW = D // 16

_LANE = lambda: lax.iota(jnp.int32, 16)


def _sims_topk_body(an_ref, cb_ref, w_ref, i_ref, sims_scr):
    pid = pl.program_id(0)
    blk = cb_ref[...]
    normsq = jnp.sum(blk * blk, axis=1)
    rnorm = 1.0 / jnp.maximum(jnp.sqrt(normsq), 1e-12)
    bn = blk * rnorm[:, None]
    a = an_ref[...]
    a_rnorm = 1.0 / jnp.maximum(jnp.sqrt(jnp.sum(a * a)), 1e-12)
    an = a * a_rnorm
    bn_r = bn.astype(jnp.bfloat16).astype(jnp.float32)
    an_r = an.astype(jnp.bfloat16).astype(jnp.float32)
    s = jnp.sum(bn_r * an_r, axis=1)
    sims_scr[pid, :] = s

    @pl.when(pid == N_BLOCKS - 1)
    def _finalize():
        sims = sims_scr[...]
        ids = (
            lax.broadcasted_iota(jnp.int32, sims.shape, 0) * BLOCK_ROWS
            + lax.broadcasted_iota(jnp.int32, sims.shape, 1)
        )

        def step(k, carry):
            sims_c, vals, idxs = carry
            m = jnp.max(sims_c)
            pick = jnp.min(jnp.where(sims_c == m, ids, jnp.int32(2**30)))
            lane = lax.broadcasted_iota(jnp.int32, (1, TOPK), 1)
            vals = jnp.where(lane == k, m, vals)
            idxs = jnp.where(lane == k, pick, idxs)
            sims_c = jnp.where(ids == pick, -jnp.inf, sims_c)
            return sims_c, vals, idxs

        init = (
            sims,
            jnp.zeros((1, TOPK), jnp.float32),
            jnp.zeros((1, TOPK), jnp.int32),
        )
        _, vals, idxs = lax.fori_loop(0, TOPK, step, init)
        z = vals * INV_TEMP
        z = z - jnp.max(z)
        e = jnp.exp(z)
        w_ref[...] = e / jnp.sum(e)
        i_ref[...] = idxs


def _sims_topk(cb, an):
    return pl.pallas_call(
        _sims_topk_body,
        grid=(N_BLOCKS,),
        in_specs=[
            pl.BlockSpec((1, D), lambda i: (0, 0)),
            pl.BlockSpec((BLOCK_ROWS, D), lambda i: (i, 0)),
        ],
        out_specs=[
            pl.BlockSpec((1, TOPK), lambda i: (0, 0)),
            pl.BlockSpec((1, TOPK), lambda i: (0, 0)),
        ],
        out_shape=[
            jax.ShapeDtypeStruct((1, TOPK), jnp.float32),
            jax.ShapeDtypeStruct((1, TOPK), jnp.int32),
        ],
        scratch_shapes=[pltpu.VMEM((N_BLOCKS, BLOCK_ROWS), jnp.float32)],
    )(an, cb)


def _sc_gather_combine(cb4d, idxs, weights):
    mesh = plsc.VectorSubcoreMesh(core_axis_name="c", subcore_axis_name="s")

    @functools.partial(
        pl.kernel,
        out_type=jax.ShapeDtypeStruct((D,), jnp.float32),
        mesh=mesh,
        scratch_types=[
            pltpu.VMEM((TOPK,), jnp.int32),
            pltpu.VMEM((TOPK,), jnp.float32),
            pltpu.VMEM((4, 4, 32, 32), jnp.float32),
            pltpu.VMEM((D,), jnp.float32),
            pltpu.SemaphoreType.DMA,
        ],
        compiler_params=pltpu.CompilerParams(needs_layout_passes=False),
    )
    def k(cb_hbm, idx_hbm, w_hbm, out_hbm, idx_v, w_v, rows_v, out_v, sem):
        cid = lax.axis_index("c")
        sid = lax.axis_index("s")

        @pl.when((cid == 0) & (sid == 0))
        def _():
            pltpu.sync_copy(idx_hbm, idx_v)
            pltpu.sync_copy(w_hbm, w_v)
            w_vec = w_v[...]
            i_vec = idx_v[...]
            wts = [
                jnp.sum(jnp.where(_LANE() == q, w_vec, 0.0)) for q in range(TOPK)
            ]
            rows = [
                jnp.sum(jnp.where(_LANE() == q, i_vec, 0)) for q in range(TOPK)
            ]

            for b4 in range(4):
                copies = [
                    pltpu.make_async_copy(
                        cb_hbm.at[pl.ds(rows[b4 * 4 + q], 1)],
                        rows_v.at[pl.ds(q, 1)],
                        sem,
                    )
                    for q in range(4)
                ]
                for c in copies:
                    c.start()
                for c in copies:
                    c.wait()

                def combine(p, _, b4=b4):
                    c = lax.shift_right_logical(p, 6)
                    r = lax.bitwise_and(lax.shift_right_logical(p, 1), 31)
                    l = lax.shift_left(lax.bitwise_and(p, 1), 4)
                    acc = (
                        jnp.zeros((16,), jnp.float32)
                        if b4 == 0
                        else out_v[pl.ds(p * 16, 16)]
                    )
                    for q in range(4):
                        acc = acc + rows_v[q, c, r, pl.ds(l, 16)] * wts[b4 * 4 + q]
                    out_v[pl.ds(p * 16, 16)] = acc
                    return 0

                lax.fori_loop(0, CHUNKS_PER_ROW, combine, 0)
            pltpu.sync_copy(out_v, out_hbm)

    return k(cb4d, idxs, weights)


def kernel(codebook, anchor_noise):
    cb = codebook.reshape(N_ROWS, D)
    an = anchor_noise.reshape(1, D)
    weights, idxs = _sims_topk(cb, an)
    out = _sc_gather_combine(codebook, idxs.reshape(TOPK), weights.reshape(TOPK))
    return out.reshape(1, 4, 32, 32)

# --- scband reference (transcript-rebuilt; emitter-appended) ---
"""Pipeline reference for scband-softmax-attention-73521250173463 (READ-ONLY COPY).

The authoritative reference and input builder live on the scoring server;
editing this copy changes nothing except your own understanding.
"""

import jax, jax.numpy as jnp
import numpy as np

TOP_K = 16


def setup_inputs(seed: int = 0) -> dict:
    key = jax.random.key(seed)
    k1, k2 = jax.random.split(key)
    codebook = jax.random.normal(k1, (8192, 4, 32, 32), dtype=jnp.float32)
    anchor_noise = jax.random.normal(k2, (1, 4, 32, 32), dtype=jnp.float32)
    return {"codebook": codebook, "anchor_noise": anchor_noise}


def _l2_normalize(x, axis):
    # matches torch.nn.functional.normalize (p=2, eps=1e-12)
    norm = jnp.linalg.norm(x, ord=2, axis=axis, keepdims=True)
    return x / jnp.maximum(norm, 1e-12)


def reference(codebook, anchor_noise):
    anchor_flat = _l2_normalize(anchor_noise.reshape(1, -1), axis=1)
    cb_flat = _l2_normalize(codebook.reshape(codebook.shape[0], -1), axis=1)
    cos_sim = jnp.matmul(anchor_flat, cb_flat.T).squeeze(0)  # [K]
    sims_value, sims_index = jax.lax.top_k(cos_sim, TOP_K)
    sims_value = sims_value.reshape(-1)
    sims_index = sims_index.reshape(-1)
    topk_vectors = jnp.take(codebook, sims_index, axis=0)  # [top_k, 4, 32, 32]
    weights = jax.nn.softmax(sims_value / 0.1, axis=0)
    noise = jnp.sum(weights[:, None, None, None] * topk_vectors, axis=0, keepdims=True)
    return noise

if __name__ == "__main__":
    import jax
    _d = setup_inputs()
    print(jax.jit(kernel)(*tuple(_d.values())))

</pallas_src>

<mosaic_0001>
#map = affine_map<(d0, d1) -> (0, 0, 0, 0)>
#map1 = affine_map<(d0, d1) -> (0)>
module attributes {stable_mosaic.version = 14 : i64} {
  func.func @k(%arg0: i32, %arg1: i32, %arg2: memref<8192x4x32x32xf32, #tpu.memory_space<hbm>>, %arg3: memref<16xi32, #tpu.memory_space<hbm>>, %arg4: memref<16xf32, #tpu.memory_space<hbm>>, %arg5: memref<4096xf32, #tpu.memory_space<hbm>>, %arg6: memref<16xi32, #tpu.memory_space<vmem>>, %arg7: memref<16xf32, #tpu.memory_space<vmem>>, %arg8: memref<4x4x32x32xf32, #tpu.memory_space<vmem>>, %arg9: memref<4096xf32, #tpu.memory_space<vmem>>, %arg10: memref<!tpu.dma_semaphore, #tpu.memory_space<semaphore_mem>>) attributes {dimension_semantics = [#tpu.dimension_semantics<core_parallel>, #tpu.dimension_semantics<subcore_parallel>], iteration_bounds = array<i64: 2, 16>, scalar_prefetch = 0 : i64, scratch_operands = 5 : i64, tpu.core_type = #tpu.core_type<sc_vector_subcore>, window_params = [{transform_indices = #map}, {transform_indices = #map1}, {transform_indices = #map1}, {transform_indices = #map1}]} {
    %eq3A = arith.constant 0 : i32
    %eq3A_0 = arith.cmpi eq, %arg0, %eq3A : i32
    %eq3A_1 = arith.constant 0 : i32
    %eq3A_2 = arith.cmpi eq, %arg1, %eq3A_1 : i32
    %and3A = arith.andi %eq3A_0, %eq3A_2 : i1
    %convert_element_type3A = arith.extui %and3A : i1 to i32
    %cond3A = arith.constant 0 : i32
    %cond3A_3 = arith.cmpi ne, %convert_element_type3A, %cond3A : i32
    scf.if %cond3A_3 {
      "tpu.region"() ({
        %run_scoped3A = tpu.sem_alloc : memref<!tpu.dma_semaphore, #tpu.memory_space<semaphore_mem>>
        tpu.enqueue_dma source(%arg3 : memref<16xi32, #tpu.memory_space<hbm>>) target(%arg6 : memref<16xi32, #tpu.memory_space<vmem>>) target_semaphore(%run_scoped3A : memref<!tpu.dma_semaphore, #tpu.memory_space<semaphore_mem>>)
        tpu.wait_dma2 semaphore(%run_scoped3A : memref<!tpu.dma_semaphore, #tpu.memory_space<semaphore_mem>>) src(%arg3 : memref<16xi32, #tpu.memory_space<hbm>>) dst(%arg6 : memref<16xi32, #tpu.memory_space<vmem>>)
        tpu.yield
      }) : () -> ()
      "tpu.region"() ({
        %run_scoped3A = tpu.sem_alloc : memref<!tpu.dma_semaphore, #tpu.memory_space<semaphore_mem>>
        tpu.enqueue_dma source(%arg4 : memref<16xf32, #tpu.memory_space<hbm>>) target(%arg7 : memref<16xf32, #tpu.memory_space<vmem>>) target_semaphore(%run_scoped3A : memref<!tpu.dma_semaphore, #tpu.memory_space<semaphore_mem>>)
        tpu.wait_dma2 semaphore(%run_scoped3A : memref<!tpu.dma_semaphore, #tpu.memory_space<semaphore_mem>>) src(%arg4 : memref<16xf32, #tpu.memory_space<hbm>>) dst(%arg7 : memref<16xf32, #tpu.memory_space<vmem>>)
        tpu.yield
      }) : () -> ()
      %get3A = arith.constant 0 : index
      %get3A_4 = tpu.vector_load %arg7[%get3A] {strides = array<i32>} : memref<16xf32, #tpu.memory_space<vmem>>, vector<16xf32>,
      %get3A_5 = arith.constant 0 : index
      %get3A_6 = tpu.vector_load %arg6[%get3A_5] {strides = array<i32>} : memref<16xi32, #tpu.memory_space<vmem>>, vector<16xi32>,
      %iota3A = tpu.iota {dimensions = array<i32: 0>} : vector<16xi32>
      %eq3A_7 = arith.constant 0 : i32
      %eq3A_8 = vector.broadcast %eq3A_7 : i32 to vector<16xi32>
      %eq3A_9 = arith.cmpi eq, %iota3A, %eq3A_8 : vector<16xi32>
      %jit3A = arith.constant 0.000000e+00 : f32
      %broadcast_in_dim3A = vector.broadcast %jit3A : f32 to vector<16xf32>
      %select_n3A = arith.select %eq3A_9, %get3A_4, %broadcast_in_dim3A : vector<16xi1>, vector<16xf32>
      %reduce_sum3A = arith.constant true
      %reduce_sum3A_10 = vector.broadcast %reduce_sum3A : i1 to vector<16xi1>
      %reduce_sum3A_11 = tpu.scan <sum>, %select_n3A masked %reduce_sum3A_10 : vector<16xf32>, vector<16xi1> -> vector<16xf32>
      %reduce_sum3A_12 = vector.extract %reduce_sum3A_11[15] : f32 from vector<16xf32>
      %iota3A_13 = tpu.iota {dimensions = array<i32: 0>} : vector<16xi32>
      %eq3A_14 = arith.constant 1 : i32
      %eq3A_15 = vector.broadcast %eq3A_14 : i32 to vector<16xi32>
      %eq3A_16 = arith.cmpi eq, %iota3A_13, %eq3A_15 : vector<16xi32>
      %jit3A_17 = arith.constant 0.000000e+00 : f32
      %broadcast_in_dim3A_18 = vector.broadcast %jit3A_17 : f32 to vector<16xf32>
      %select_n3A_19 = arith.select %eq3A_16, %get3A_4, %broadcast_in_dim3A_18 : vector<16xi1>, vector<16xf32>
      %reduce_sum3A_20 = arith.constant true
      %reduce_sum3A_21 = vector.broadcast %reduce_sum3A_20 : i1 to vector<16xi1>
      %reduce_sum3A_22 = tpu.scan <sum>, %select_n3A_19 masked %reduce_sum3A_21 : vector<16xf32>, vector<16xi1> -> vector<16xf32>
      %reduce_sum3A_23 = vector.extract %reduce_sum3A_22[15] : f32 from vector<16xf32>
      %iota3A_24 = tpu.iota {dimensions = array<i32: 0>} : vector<16xi32>
      %eq3A_25 = arith.constant 2 : i32
      %eq3A_26 = vector.broadcast %eq3A_25 : i32 to vector<16xi32>
      %eq3A_27 = arith.cmpi eq, %iota3A_24, %eq3A_26 : vector<16xi32>
      %jit3A_28 = arith.constant 0.000000e+00 : f32
      %broadcast_in_dim3A_29 = vector.broadcast %jit3A_28 : f32 to vector<16xf32>
      %select_n3A_30 = arith.select %eq3A_27, %get3A_4, %broadcast_in_dim3A_29 : vector<16xi1>, vector<16xf32>
      %reduce_sum3A_31 = arith.constant true
      %reduce_sum3A_32 = vector.broadcast %reduce_sum3A_31 : i1 to vector<16xi1>
      %reduce_sum3A_33 = tpu.scan <sum>, %select_n3A_30 masked %reduce_sum3A_32 : vector<16xf32>, vector<16xi1> -> vector<16xf32>
      %reduce_sum3A_34 = vector.extract %reduce_sum3A_33[15] : f32 from vector<16xf32>
      %iota3A_35 = tpu.iota {dimensions = array<i32: 0>} : vector<16xi32>
      %eq3A_36 = arith.constant 3 : i32
      %eq3A_37 = vector.broadcast %eq3A_36 : i32 to vector<16xi32>
      %eq3A_38 = arith.cmpi eq, %iota3A_35, %eq3A_37 : vector<16xi32>
      %jit3A_39 = arith.constant 0.000000e+00 : f32
      %broadcast_in_dim3A_40 = vector.broadcast %jit3A_39 : f32 to vector<16xf32>
      %select_n3A_41 = arith.select %eq3A_38, %get3A_4, %broadcast_in_dim3A_40 : vector<16xi1>, vector<16xf32>
      %reduce_sum3A_42 = arith.constant true
      %reduce_sum3A_43 = vector.broadcast %reduce_sum3A_42 : i1 to vector<16xi1>
      %reduce_sum3A_44 = tpu.scan <sum>, %select_n3A_41 masked %reduce_sum3A_43 : vector<16xf32>, vector<16xi1> -> vector<16xf32>
      %reduce_sum3A_45 = vector.extract %reduce_sum3A_44[15] : f32 from vector<16xf32>
      %iota3A_46 = tpu.iota {dimensions = array<i32: 0>} : vector<16xi32>
      %eq3A_47 = arith.constant 4 : i32
      %eq3A_48 = vector.broadcast %eq3A_47 : i32 to vector<16xi32>
      %eq3A_49 = arith.cmpi eq, %iota3A_46, %eq3A_48 : vector<16xi32>
      %jit3A_50 = arith.constant 0.000000e+00 : f32
      %broadcast_in_dim3A_51 = vector.broadcast %jit3A_50 : f32 to vector<16xf32>
      %select_n3A_52 = arith.select %eq3A_49, %get3A_4, %broadcast_in_dim3A_51 : vector<16xi1>, vector<16xf32>
      %reduce_sum3A_53 = arith.constant true
      %reduce_sum3A_54 = vector.broadcast %reduce_sum3A_53 : i1 to vector<16xi1>
      %reduce_sum3A_55 = tpu.scan <sum>, %select_n3A_52 masked %reduce_sum3A_54 : vector<16xf32>, vector<16xi1> -> vector<16xf32>
      %reduce_sum3A_56 = vector.extract %reduce_sum3A_55[15] : f32 from vector<16xf32>
      %iota3A_57 = tpu.iota {dimensions = array<i32: 0>} : vector<16xi32>
      %eq3A_58 = arith.constant 5 : i32
      %eq3A_59 = vector.broadcast %eq3A_58 : i32 to vector<16xi32>
      %eq3A_60 = arith.cmpi eq, %iota3A_57, %eq3A_59 : vector<16xi32>
      %jit3A_61 = arith.constant 0.000000e+00 : f32
      %broadcast_in_dim3A_62 = vector.broadcast %jit3A_61 : f32 to vector<16xf32>
      %select_n3A_63 = arith.select %eq3A_60, %get3A_4, %broadcast_in_dim3A_62 : vector<16xi1>, vector<16xf32>
      %reduce_sum3A_64 = arith.constant true
      %reduce_sum3A_65 = vector.broadcast %reduce_sum3A_64 : i1 to vector<16xi1>
      %reduce_sum3A_66 = tpu.scan <sum>, %select_n3A_63 masked %reduce_sum3A_65 : vector<16xf32>, vector<16xi1> -> vector<16xf32>
      %reduce_sum3A_67 = vector.extract %reduce_sum3A_66[15] : f32 from vector<16xf32>
      %iota3A_68 = tpu.iota {dimensions = array<i32: 0>} : vector<16xi32>
      %eq3A_69 = arith.constant 6 : i32
      %eq3A_70 = vector.broadcast %eq3A_69 : i32 to vector<16xi32>
      %eq3A_71 = arith.cmpi eq, %iota3A_68, %eq3A_70 : vector<16xi32>
      %jit3A_72 = arith.constant 0.000000e+00 : f32
      %broadcast_in_dim3A_73 = vector.broadcast %jit3A_72 : f32 to vector<16xf32>
      %select_n3A_74 = arith.select %eq3A_71, %get3A_4, %broadcast_in_dim3A_73 : vector<16xi1>, vector<16xf32>
      %reduce_sum3A_75 = arith.constant true
      %reduce_sum3A_76 = vector.broadcast %reduce_sum3A_75 : i1 to vector<16xi1>
      %reduce_sum3A_77 = tpu.scan <sum>, %select_n3A_74 masked %reduce_sum3A_76 : vector<16xf32>, vector<16xi1> -> vector<16xf32>
      %reduce_sum3A_78 = vector.extract %reduce_sum3A_77[15] : f32 from vector<16xf32>
      %iota3A_79 = tpu.iota {dimensions = array<i32: 0>} : vector<16xi32>
      %eq3A_80 = arith.constant 7 : i32
      %eq3A_81 = vector.broadcast %eq3A_80 : i32 to vector<16xi32>
      %eq3A_82 = arith.cmpi eq, %iota3A_79, %eq3A_81 : vector<16xi32>
      %jit3A_83 = arith.constant 0.000000e+00 : f32
      %broadcast_in_dim3A_84 = vector.broadcast %jit3A_83 : f32 to vector<16xf32>
      %select_n3A_85 = arith.select %eq3A_82, %get3A_4, %broadcast_in_dim3A_84 : vector<16xi1>, vector<16xf32>
      %reduce_sum3A_86 = arith.constant true
      %reduce_sum3A_87 = vector.broadcast %reduce_sum3A_86 : i1 to vector<16xi1>
      %reduce_sum3A_88 = tpu.scan <sum>, %select_n3A_85 masked %reduce_sum3A_87 : vector<16xf32>, vector<16xi1> -> vector<16xf32>
      %reduce_sum3A_89 = vector.extract %reduce_sum3A_88[15] : f32 from vector<16xf32>
      %iota3A_90 = tpu.iota {dimensions = array<i32: 0>} : vector<16xi32>
      %eq3A_91 = arith.constant 8 : i32
      %eq3A_92 = vector.broadcast %eq3A_91 : i32 to vector<16xi32>
      %eq3A_93 = arith.cmpi eq, %iota3A_90, %eq3A_92 : vector<16xi32>
      %jit3A_94 = arith.constant 0.000000e+00 : f32
      %broadcast_in_dim3A_95 = vector.broadcast %jit3A_94 : f32 to vector<16xf32>
      %select_n3A_96 = arith.select %eq3A_93, %get3A_4, %broadcast_in_dim3A_95 : vector<16xi1>, vector<16xf32>
      %reduce_sum3A_97 = arith.constant true
      %reduce_sum3A_98 = vector.broadcast %reduce_sum3A_97 : i1 to vector<16xi1>
      %reduce_sum3A_99 = tpu.scan <sum>, %select_n3A_96 masked %reduce_sum3A_98 : vector<16xf32>, vector<16xi1> -> vector<16xf32>
      %reduce_sum3A_100 = vector.extract %reduce_sum3A_99[15] : f32 from vector<16xf32>
      %iota3A_101 = tpu.iota {dimensions = array<i32: 0>} : vector<16xi32>
      %eq3A_102 = arith.constant 9 : i32
      %eq3A_103 = vector.broadcast %eq3A_102 : i32 to vector<16xi32>
      %eq3A_104 = arith.cmpi eq, %iota3A_101, %eq3A_103 : vector<16xi32>
      %jit3A_105 = arith.constant 0.000000e+00 : f32
      %broadcast_in_dim3A_106 = vector.broadcast %jit3A_105 : f32 to vector<16xf32>
      %select_n3A_107 = arith.select %eq3A_104, %get3A_4, %broadcast_in_dim3A_106 : vector<16xi1>, vector<16xf32>
      %reduce_sum3A_108 = arith.constant true
      %reduce_sum3A_109 = vector.broadcast %reduce_sum3A_108 : i1 to vector<16xi1>
      %reduce_sum3A_110 = tpu.scan <sum>, %select_n3A_107 masked %reduce_sum3A_109 : vector<16xf32>, vector<16xi1> -> vector<16xf32>
      %reduce_sum3A_111 = vector.extract %reduce_sum3A_110[15] : f32 from vector<16xf32>
      %iota3A_112 = tpu.iota {dimensions = array<i32: 0>} : vector<16xi32>
      %eq3A_113 = arith.constant 10 : i32
      %eq3A_114 = vector.broadcast %eq3A_113 : i32 to vector<16xi32>
      %eq3A_115 = arith.cmpi eq, %iota3A_112, %eq3A_114 : vector<16xi32>
      %jit3A_116 = arith.constant 0.000000e+00 : f32
      %broadcast_in_dim3A_117 = vector.broadcast %jit3A_116 : f32 to vector<16xf32>
      %select_n3A_118 = arith.select %eq3A_115, %get3A_4, %broadcast_in_dim3A_117 : vector<16xi1>, vector<16xf32>
      %reduce_sum3A_119 = arith.constant true
      %reduce_sum3A_120 = vector.broadcast %reduce_sum3A_119 : i1 to vector<16xi1>
      %reduce_sum3A_121 = tpu.scan <sum>, %select_n3A_118 masked %reduce_sum3A_120 : vector<16xf32>, vector<16xi1> -> vector<16xf32>
      %reduce_sum3A_122 = vector.extract %reduce_sum3A_121[15] : f32 from vector<16xf32>
      %iota3A_123 = tpu.iota {dimensions = array<i32: 0>} : vector<16xi32>
      %eq3A_124 = arith.constant 11 : i32
      %eq3A_125 = vector.broadcast %eq3A_124 : i32 to vector<16xi32>
      %eq3A_126 = arith.cmpi eq, %iota3A_123, %eq3A_125 : vector<16xi32>
      %jit3A_127 = arith.constant 0.000000e+00 : f32
      %broadcast_in_dim3A_128 = vector.broadcast %jit3A_127 : f32 to vector<16xf32>
      %select_n3A_129 = arith.select %eq3A_126, %get3A_4, %broadcast_in_dim3A_128 : vector<16xi1>, vector<16xf32>
      %reduce_sum3A_130 = arith.constant true
      %reduce_sum3A_131 = vector.broadcast %reduce_sum3A_130 : i1 to vector<16xi1>
      %reduce_sum3A_132 = tpu.scan <sum>, %select_n3A_129 masked %reduce_sum3A_131 : vector<16xf32>, vector<16xi1> -> vector<16xf32>
      %reduce_sum3A_133 = vector.extract %reduce_sum3A_132[15] : f32 from vector<16xf32>
      %iota3A_134 = tpu.iota {dimensions = array<i32: 0>} : vector<16xi32>
      %eq3A_135 = arith.constant 12 : i32
      %eq3A_136 = vector.broadcast %eq3A_135 : i32 to vector<16xi32>
      %eq3A_137 = arith.cmpi eq, %iota3A_134, %eq3A_136 : vector<16xi32>
      %jit3A_138 = arith.constant 0.000000e+00 : f32
      %broadcast_in_dim3A_139 = vector.broadcast %jit3A_138 : f32 to vector<16xf32>
      %select_n3A_140 = arith.select %eq3A_137, %get3A_4, %broadcast_in_dim3A_139 : vector<16xi1>, vector<16xf32>
      %reduce_sum3A_141 = arith.constant true
      %reduce_sum3A_142 = vector.broadcast %reduce_sum3A_141 : i1 to vector<16xi1>
      %reduce_sum3A_143 = tpu.scan <sum>, %select_n3A_140 masked %reduce_sum3A_142 : vector<16xf32>, vector<16xi1> -> vector<16xf32>
      %reduce_sum3A_144 = vector.extract %reduce_sum3A_143[15] : f32 from vector<16xf32>
      %iota3A_145 = tpu.iota {dimensions = array<i32: 0>} : vector<16xi32>
      %eq3A_146 = arith.constant 13 : i32
      %eq3A_147 = vector.broadcast %eq3A_146 : i32 to vector<16xi32>
      %eq3A_148 = arith.cmpi eq, %iota3A_145, %eq3A_147 : vector<16xi32>
      %jit3A_149 = arith.constant 0.000000e+00 : f32
      %broadcast_in_dim3A_150 = vector.broadcast %jit3A_149 : f32 to vector<16xf32>
      %select_n3A_151 = arith.select %eq3A_148, %get3A_4, %broadcast_in_dim3A_150 : vector<16xi1>, vector<16xf32>
      %reduce_sum3A_152 = arith.constant true
      %reduce_sum3A_153 = vector.broadcast %reduce_sum3A_152 : i1 to vector<16xi1>
      %reduce_sum3A_154 = tpu.scan <sum>, %select_n3A_151 masked %reduce_sum3A_153 : vector<16xf32>, vector<16xi1> -> vector<16xf32>
      %reduce_sum3A_155 = vector.extract %reduce_sum3A_154[15] : f32 from vector<16xf32>
      %iota3A_156 = tpu.iota {dimensions = array<i32: 0>} : vector<16xi32>
      %eq3A_157 = arith.constant 14 : i32
      %eq3A_158 = vector.broadcast %eq3A_157 : i32 to vector<16xi32>
      %eq3A_159 = arith.cmpi eq, %iota3A_156, %eq3A_158 : vector<16xi32>
      %jit3A_160 = arith.constant 0.000000e+00 : f32
      %broadcast_in_dim3A_161 = vector.broadcast %jit3A_160 : f32 to vector<16xf32>
      %select_n3A_162 = arith.select %eq3A_159, %get3A_4, %broadcast_in_dim3A_161 : vector<16xi1>, vector<16xf32>
      %reduce_sum3A_163 = arith.constant true
      %reduce_sum3A_164 = vector.broadcast %reduce_sum3A_163 : i1 to vector<16xi1>
      %reduce_sum3A_165 = tpu.scan <sum>, %select_n3A_162 masked %reduce_sum3A_164 : vector<16xf32>, vector<16xi1> -> vector<16xf32>
      %reduce_sum3A_166 = vector.extract %reduce_sum3A_165[15] : f32 from vector<16xf32>
      %iota3A_167 = tpu.iota {dimensions = array<i32: 0>} : vector<16xi32>
      %eq3A_168 = arith.constant 15 : i32
      %eq3A_169 = vector.broadcast %eq3A_168 : i32 to vector<16xi32>
      %eq3A_170 = arith.cmpi eq, %iota3A_167, %eq3A_169 : vector<16xi32>
      %jit3A_171 = arith.constant 0.000000e+00 : f32
      %broadcast_in_dim3A_172 = vector.broadcast %jit3A_171 : f32 to vector<16xf32>
      %select_n3A_173 = arith.select %eq3A_170, %get3A_4, %broadcast_in_dim3A_172 : vector<16xi1>, vector<16xf32>
      %reduce_sum3A_174 = arith.constant true
      %reduce_sum3A_175 = vector.broadcast %reduce_sum3A_174 : i1 to vector<16xi1>
      %reduce_sum3A_176 = tpu.scan <sum>, %select_n3A_173 masked %reduce_sum3A_175 : vector<16xf32>, vector<16xi1> -> vector<16xf32>
      %reduce_sum3A_177 = vector.extract %reduce_sum3A_176[15] : f32 from vector<16xf32>
      %iota3A_178 = tpu.iota {dimensions = array<i32: 0>} : vector<16xi32>
      %eq3A_179 = arith.constant 0 : i32
      %eq3A_180 = vector.broadcast %eq3A_179 : i32 to vector<16xi32>
      %eq3A_181 = arith.cmpi eq, %iota3A_178, %eq3A_180 : vector<16xi32>
      %jit3A_182 = arith.constant 0 : i32
      %broadcast_in_dim3A_183 = vector.broadcast %jit3A_182 : i32 to vector<16xi32>
      %select_n3A_184 = arith.select %eq3A_181, %get3A_6, %broadcast_in_dim3A_183 : vector<16xi1>, vector<16xi32>
      %reduce_sum3A_185 = arith.constant true
      %reduce_sum3A_186 = vector.broadcast %reduce_sum3A_185 : i1 to vector<16xi1>
      %reduce_sum3A_187 = tpu.scan <sum>, %select_n3A_184 masked %reduce_sum3A_186 : vector<16xi32>, vector<16xi1> -> vector<16xi32>
      %reduce_sum3A_188 = vector.extract %reduce_sum3A_187[15] : i32 from vector<16xi32>
      %iota3A_189 = tpu.iota {dimensions = array<i32: 0>} : vector<16xi32>
      %eq3A_190 = arith.constant 1 : i32
      %eq3A_191 = vector.broadcast %eq3A_190 : i32 to vector<16xi32>
      %eq3A_192 = arith.cmpi eq, %iota3A_189, %eq3A_191 : vector<16xi32>
      %jit3A_193 = arith.constant 0 : i32
      %broadcast_in_dim3A_194 = vector.broadcast %jit3A_193 : i32 to vector<16xi32>
      %select_n3A_195 = arith.select %eq3A_192, %get3A_6, %broadcast_in_dim3A_194 : vector<16xi1>, vector<16xi32>
      %reduce_sum3A_196 = arith.constant true
      %reduce_sum3A_197 = vector.broadcast %reduce_sum3A_196 : i1 to vector<16xi1>
      %reduce_sum3A_198 = tpu.scan <sum>, %select_n3A_195 masked %reduce_sum3A_197 : vector<16xi32>, vector<16xi1> -> vector<16xi32>
      %reduce_sum3A_199 = vector.extract %reduce_sum3A_198[15] : i32 from vector<16xi32>
      %iota3A_200 = tpu.iota {dimensions = array<i32: 0>} : vector<16xi32>
      %eq3A_201 = arith.constant 2 : i32
      %eq3A_202 = vector.broadcast %eq3A_201 : i32 to vector<16xi32>
      %eq3A_203 = arith.cmpi eq, %iota3A_200, %eq3A_202 : vector<16xi32>
      %jit3A_204 = arith.constant 0 : i32
      %broadcast_in_dim3A_205 = vector.broadcast %jit3A_204 : i32 to vector<16xi32>
      %select_n3A_206 = arith.select %eq3A_203, %get3A_6, %broadcast_in_dim3A_205 : vector<16xi1>, vector<16xi32>
      %reduce_sum3A_207 = arith.constant true
      %reduce_sum3A_208 = vector.broadcast %reduce_sum3A_207 : i1 to vector<16xi1>
      %reduce_sum3A_209 = tpu.scan <sum>, %select_n3A_206 masked %reduce_sum3A_208 : vector<16xi32>, vector<16xi1> -> vector<16xi32>
      %reduce_sum3A_210 = vector.extract %reduce_sum3A_209[15] : i32 from vector<16xi32>
      %iota3A_211 = tpu.iota {dimensions = array<i32: 0>} : vector<16xi32>
      %eq3A_212 = arith.constant 3 : i32
      %eq3A_213 = vector.broadcast %eq3A_212 : i32 to vector<16xi32>
      %eq3A_214 = arith.cmpi eq, %iota3A_211, %eq3A_213 : vector<16xi32>
      %jit3A_215 = arith.constant 0 : i32
      %broadcast_in_dim3A_216 = vector.broadcast %jit3A_215 : i32 to vector<16xi32>
      %select_n3A_217 = arith.select %eq3A_214, %get3A_6, %broadcast_in_dim3A_216 : vector<16xi1>, vector<16xi32>
      %reduce_sum3A_218 = arith.constant true
      %reduce_sum3A_219 = vector.broadcast %reduce_sum3A_218 : i1 to vector<16xi1>
      %reduce_sum3A_220 = tpu.scan <sum>, %select_n3A_217 masked %reduce_sum3A_219 : vector<16xi32>, vector<16xi1> -> vector<16xi32>
      %reduce_sum3A_221 = vector.extract %reduce_sum3A_220[15] : i32 from vector<16xi32>
      %iota3A_222 = tpu.iota {dimensions = array<i32: 0>} : vector<16xi32>
      %eq3A_223 = arith.constant 4 : i32
      %eq3A_224 = vector.broadcast %eq3A_223 : i32 to vector<16xi32>
      %eq3A_225 = arith.cmpi eq, %iota3A_222, %eq3A_224 : vector<16xi32>
      %jit3A_226 = arith.constant 0 : i32
      %broadcast_in_dim3A_227 = vector.broadcast %jit3A_226 : i32 to vector<16xi32>
      %select_n3A_228 = arith.select %eq3A_225, %get3A_6, %broadcast_in_dim3A_227 : vector<16xi1>, vector<16xi32>
      %reduce_sum3A_229 = arith.constant true
      %reduce_sum3A_230 = vector.broadcast %reduce_sum3A_229 : i1 to vector<16xi1>
      %reduce_sum3A_231 = tpu.scan <sum>, %select_n3A_228 masked %reduce_sum3A_230 : vector<16xi32>, vector<16xi1> -> vector<16xi32>
      %reduce_sum3A_232 = vector.extract %reduce_sum3A_231[15] : i32 from vector<16xi32>
      %iota3A_233 = tpu.iota {dimensions = array<i32: 0>} : vector<16xi32>
      %eq3A_234 = arith.constant 5 : i32
      %eq3A_235 = vector.broadcast %eq3A_234 : i32 to vector<16xi32>
      %eq3A_236 = arith.cmpi eq, %iota3A_233, %eq3A_235 : vector<16xi32>
      %jit3A_237 = arith.constant 0 : i32
      %broadcast_in_dim3A_238 = vector.broadcast %jit3A_237 : i32 to vector<16xi32>
      %select_n3A_239 = arith.select %eq3A_236, %get3A_6, %broadcast_in_dim3A_238 : vector<16xi1>, vector<16xi32>
      %reduce_sum3A_240 = arith.constant true
      %reduce_sum3A_241 = vector.broadcast %reduce_sum3A_240 : i1 to vector<16xi1>
      %reduce_sum3A_242 = tpu.scan <sum>, %select_n3A_239 masked %reduce_sum3A_241 : vector<16xi32>, vector<16xi1> -> vector<16xi32>
      %reduce_sum3A_243 = vector.extract %reduce_sum3A_242[15] : i32 from vector<16xi32>
      %iota3A_244 = tpu.iota {dimensions = array<i32: 0>} : vector<16xi32>
      %eq3A_245 = arith.constant 6 : i32
      %eq3A_246 = vector.broadcast %eq3A_245 : i32 to vector<16xi32>
      %eq3A_247 = arith.cmpi eq, %iota3A_244, %eq3A_246 : vector<16xi32>
      %jit3A_248 = arith.constant 0 : i32
      %broadcast_in_dim3A_249 = vector.broadcast %jit3A_248 : i32 to vector<16xi32>
      %select_n3A_250 = arith.select %eq3A_247, %get3A_6, %broadcast_in_dim3A_249 : vector<16xi1>, vector<16xi32>
      %reduce_sum3A_251 = arith.constant true
      %reduce_sum3A_252 = vector.broadcast %reduce_sum3A_251 : i1 to vector<16xi1>
      %reduce_sum3A_253 = tpu.scan <sum>, %select_n3A_250 masked %reduce_sum3A_252 : vector<16xi32>, vector<16xi1> -> vector<16xi32>
      %reduce_sum3A_254 = vector.extract %reduce_sum3A_253[15] : i32 from vector<16xi32>
      %iota3A_255 = tpu.iota {dimensions = array<i32: 0>} : vector<16xi32>
      %eq3A_256 = arith.constant 7 : i32
      %eq3A_257 = vector.broadcast %eq3A_256 : i32 to vector<16xi32>
      %eq3A_258 = arith.cmpi eq, %iota3A_255, %eq3A_257 : vector<16xi32>
      %jit3A_259 = arith.constant 0 : i32
      %broadcast_in_dim3A_260 = vector.broadcast %jit3A_259 : i32 to vector<16xi32>
      %select_n3A_261 = arith.select %eq3A_258, %get3A_6, %broadcast_in_dim3A_260 : vector<16xi1>, vector<16xi32>
      %reduce_sum3A_262 = arith.constant true
      %reduce_sum3A_263 = vector.broadcast %reduce_sum3A_262 : i1 to vector<16xi1>
      %reduce_sum3A_264 = tpu.scan <sum>, %select_n3A_261 masked %reduce_sum3A_263 : vector<16xi32>, vector<16xi1> -> vector<16xi32>
      %reduce_sum3A_265 = vector.extract %reduce_sum3A_264[15] : i32 from vector<16xi32>
      %iota3A_266 = tpu.iota {dimensions = array<i32: 0>} : vector<16xi32>
      %eq3A_267 = arith.constant 8 : i32
      %eq3A_268 = vector.broadcast %eq3A_267 : i32 to vector<16xi32>
      %eq3A_269 = arith.cmpi eq, %iota3A_266, %eq3A_268 : vector<16xi32>
      %jit3A_270 = arith.constant 0 : i32
      %broadcast_in_dim3A_271 = vector.broadcast %jit3A_270 : i32 to vector<16xi32>
      %select_n3A_272 = arith.select %eq3A_269, %get3A_6, %broadcast_in_dim3A_271 : vector<16xi1>, vector<16xi32>
      %reduce_sum3A_273 = arith.constant true
      %reduce_sum3A_274 = vector.broadcast %reduce_sum3A_273 : i1 to vector<16xi1>
      %reduce_sum3A_275 = tpu.scan <sum>, %select_n3A_272 masked %reduce_sum3A_274 : vector<16xi32>, vector<16xi1> -> vector<16xi32>
      %reduce_sum3A_276 = vector.extract %reduce_sum3A_275[15] : i32 from vector<16xi32>
      %iota3A_277 = tpu.iota {dimensions = array<i32: 0>} : vector<16xi32>
      %eq3A_278 = arith.constant 9 : i32
      %eq3A_279 = vector.broadcast %eq3A_278 : i32 to vector<16xi32>
      %eq3A_280 = arith.cmpi eq, %iota3A_277, %eq3A_279 : vector<16xi32>
      %jit3A_281 = arith.constant 0 : i32
      %broadcast_in_dim3A_282 = vector.broadcast %jit3A_281 : i32 to vector<16xi32>
      %select_n3A_283 = arith.select %eq3A_280, %get3A_6, %broadcast_in_dim3A_282 : vector<16xi1>, vector<16xi32>
      %reduce_sum3A_284 = arith.constant true
      %reduce_sum3A_285 = vector.broadcast %reduce_sum3A_284 : i1 to vector<16xi1>
      %reduce_sum3A_286 = tpu.scan <sum>, %select_n3A_283 masked %reduce_sum3A_285 : vector<16xi32>, vector<16xi1> -> vector<16xi32>
      %reduce_sum3A_287 = vector.extract %reduce_sum3A_286[15] : i32 from vector<16xi32>
      %iota3A_288 = tpu.iota {dimensions = array<i32: 0>} : vector<16xi32>
      %eq3A_289 = arith.constant 10 : i32
      %eq3A_290 = vector.broadcast %eq3A_289 : i32 to vector<16xi32>
      %eq3A_291 = arith.cmpi eq, %iota3A_288, %eq3A_290 : vector<16xi32>
      %jit3A_292 = arith.constant 0 : i32
      %broadcast_in_dim3A_293 = vector.broadcast %jit3A_292 : i32 to vector<16xi32>
      %select_n3A_294 = arith.select %eq3A_291, %get3A_6, %broadcast_in_dim3A_293 : vector<16xi1>, vector<16xi32>
      %reduce_sum3A_295 = arith.constant true
      %reduce_sum3A_296 = vector.broadcast %reduce_sum3A_295 : i1 to vector<16xi1>
      %reduce_sum3A_297 = tpu.scan <sum>, %select_n3A_294 masked %reduce_sum3A_296 : vector<16xi32>, vector<16xi1> -> vector<16xi32>
      %reduce_sum3A_298 = vector.extract %reduce_sum3A_297[15] : i32 from vector<16xi32>
      %iota3A_299 = tpu.iota {dimensions = array<i32: 0>} : vector<16xi32>
      %eq3A_300 = arith.constant 11 : i32
      %eq3A_301 = vector.broadcast %eq3A_300 : i32 to vector<16xi32>
      %eq3A_302 = arith.cmpi eq, %iota3A_299, %eq3A_301 : vector<16xi32>
      %jit3A_303 = arith.constant 0 : i32
      %broadcast_in_dim3A_304 = vector.broadcast %jit3A_303 : i32 to vector<16xi32>
      %select_n3A_305 = arith.select %eq3A_302, %get3A_6, %broadcast_in_dim3A_304 : vector<16xi1>, vector<16xi32>
      %reduce_sum3A_306 = arith.constant true
      %reduce_sum3A_307 = vector.broadcast %reduce_sum3A_306 : i1 to vector<16xi1>
      %reduce_sum3A_308 = tpu.scan <sum>, %select_n3A_305 masked %reduce_sum3A_307 : vector<16xi32>, vector<16xi1> -> vector<16xi32>
      %reduce_sum3A_309 = vector.extract %reduce_sum3A_308[15] : i32 from vector<16xi32>
      %iota3A_310 = tpu.iota {dimensions = array<i32: 0>} : vector<16xi32>
      %eq3A_311 = arith.constant 12 : i32
      %eq3A_312 = vector.broadcast %eq3A_311 : i32 to vector<16xi32>
      %eq3A_313 = arith.cmpi eq, %iota3A_310, %eq3A_312 : vector<16xi32>
      %jit3A_314 = arith.constant 0 : i32
      %broadcast_in_dim3A_315 = vector.broadcast %jit3A_314 : i32 to vector<16xi32>
      %select_n3A_316 = arith.select %eq3A_313, %get3A_6, %broadcast_in_dim3A_315 : vector<16xi1>, vector<16xi32>
      %reduce_sum3A_317 = arith.constant true
      %reduce_sum3A_318 = vector.broadcast %reduce_sum3A_317 : i1 to vector<16xi1>
      %reduce_sum3A_319 = tpu.scan <sum>, %select_n3A_316 masked %reduce_sum3A_318 : vector<16xi32>, vector<16xi1> -> vector<16xi32>
      %reduce_sum3A_320 = vector.extract %reduce_sum3A_319[15] : i32 from vector<16xi32>
      %iota3A_321 = tpu.iota {dimensions = array<i32: 0>} : vector<16xi32>
      %eq3A_322 = arith.constant 13 : i32
      %eq3A_323 = vector.broadcast %eq3A_322 : i32 to vector<16xi32>
      %eq3A_324 = arith.cmpi eq, %iota3A_321, %eq3A_323 : vector<16xi32>
      %jit3A_325 = arith.constant 0 : i32
      %broadcast_in_dim3A_326 = vector.broadcast %jit3A_325 : i32 to vector<16xi32>
      %select_n3A_327 = arith.select %eq3A_324, %get3A_6, %broadcast_in_dim3A_326 : vector<16xi1>, vector<16xi32>
      %reduce_sum3A_328 = arith.constant true
      %reduce_sum3A_329 = vector.broadcast %reduce_sum3A_328 : i1 to vector<16xi1>
      %reduce_sum3A_330 = tpu.scan <sum>, %select_n3A_327 masked %reduce_sum3A_329 : vector<16xi32>, vector<16xi1> -> vector<16xi32>
      %reduce_sum3A_331 = vector.extract %reduce_sum3A_330[15] : i32 from vector<16xi32>
      %iota3A_332 = tpu.iota {dimensions = array<i32: 0>} : vector<16xi32>
      %eq3A_333 = arith.constant 14 : i32
      %eq3A_334 = vector.broadcast %eq3A_333 : i32 to vector<16xi32>
      %eq3A_335 = arith.cmpi eq, %iota3A_332, %eq3A_334 : vector<16xi32>
      %jit3A_336 = arith.constant 0 : i32
      %broadcast_in_dim3A_337 = vector.broadcast %jit3A_336 : i32 to vector<16xi32>
      %select_n3A_338 = arith.select %eq3A_335, %get3A_6, %broadcast_in_dim3A_337 : vector<16xi1>, vector<16xi32>
      %reduce_sum3A_339 = arith.constant true
      %reduce_sum3A_340 = vector.broadcast %reduce_sum3A_339 : i1 to vector<16xi1>
      %reduce_sum3A_341 = tpu.scan <sum>, %select_n3A_338 masked %reduce_sum3A_340 : vector<16xi32>, vector<16xi1> -> vector<16xi32>
      %reduce_sum3A_342 = vector.extract %reduce_sum3A_341[15] : i32 from vector<16xi32>
      %iota3A_343 = tpu.iota {dimensions = array<i32: 0>} : vector<16xi32>
      %eq3A_344 = arith.constant 15 : i32
      %eq3A_345 = vector.broadcast %eq3A_344 : i32 to vector<16xi32>
      %eq3A_346 = arith.cmpi eq, %iota3A_343, %eq3A_345 : vector<16xi32>
      %jit3A_347 = arith.constant 0 : i32
      %broadcast_in_dim3A_348 = vector.broadcast %jit3A_347 : i32 to vector<16xi32>
      %select_n3A_349 = arith.select %eq3A_346, %get3A_6, %broadcast_in_dim3A_348 : vector<16xi1>, vector<16xi32>
      %reduce_sum3A_350 = arith.constant true
      %reduce_sum3A_351 = vector.broadcast %reduce_sum3A_350 : i1 to vector<16xi1>
      %reduce_sum3A_352 = tpu.scan <sum>, %select_n3A_349 masked %reduce_sum3A_351 : vector<16xi32>, vector<16xi1> -> vector<16xi32>
      %reduce_sum3A_353 = vector.extract %reduce_sum3A_352[15] : i32 from vector<16xi32>
      %dma_start3A = arith.constant 0 : i32
      %dma_start3A_354 = arith.constant 0 : i32
      %dma_start3A_355 = arith.constant 0 : i32
      %dma_start3A_356 = arith.constant 0 : i32
      %dma_start3A_357 = tpu.memref_slice %arg8[%dma_start3A, %dma_start3A_354, %dma_start3A_355, %dma_start3A_356] : memref<4x4x32x32xf32, #tpu.memory_space<vmem>> -> memref<1x4x32x32xf32, #tpu.memory_space<vmem>>
      %dma_start3A_358 = arith.constant 0 : i32
      %dma_start3A_359 = arith.constant 0 : i32
      %dma_start3A_360 = arith.constant 0 : i32
      %dma_start3A_361 = tpu.memref_slice %arg2[%reduce_sum3A_188, %dma_start3A_358, %dma_start3A_359, %dma_start3A_360] : memref<8192x4x32x32xf32, #tpu.memory_space<hbm>> -> memref<1x4x32x32xf32, #tpu.memory_space<hbm>>
      %dma_start3A_362 = arith.constant 0 : i32
      %dma_start3A_363 = arith.constant 0 : i32
      %dma_start3A_364 = arith.constant 0 : i32
      %dma_start3A_365 = arith.constant 0 : i32
      %dma_start3A_366 = tpu.memref_slice %arg8[%dma_start3A_362, %dma_start3A_363, %dma_start3A_364, %dma_start3A_365] : memref<4x4x32x32xf32, #tpu.memory_space<vmem>> -> memref<1x4x32x32xf32, #tpu.memory_space<vmem>>
      %dma_start3A_367 = arith.constant 0 : i32
      %dma_start3A_368 = arith.constant 0 : i32
      %dma_start3A_369 = arith.constant 0 : i32
      %dma_start3A_370 = tpu.memref_slice %arg2[%reduce_sum3A_188, %dma_start3A_367, %dma_start3A_368, %dma_start3A_369] : memref<8192x4x32x32xf32, #tpu.memory_space<hbm>> -> memref<1x4x32x32xf32, #tpu.memory_space<hbm>>
      tpu.enqueue_dma source(%dma_start3A_370 : memref<1x4x32x32xf32, #tpu.memory_space<hbm>>) target(%dma_start3A_366 : memref<1x4x32x32xf32, #tpu.memory_space<vmem>>) target_semaphore(%arg10 : memref<!tpu.dma_semaphore, #tpu.memory_space<semaphore_mem>>)
      %dma_start3A_371 = arith.constant 1 : i32
      %dma_start3A_372 = arith.constant 0 : i32
      %dma_start3A_373 = arith.constant 0 : i32
      %dma_start3A_374 = arith.constant 0 : i32
      %dma_start3A_375 = tpu.memref_slice %arg8[%dma_start3A_371, %dma_start3A_372, %dma_start3A_373, %dma_start3A_374] : memref<4x4x32x32xf32, #tpu.memory_space<vmem>> -> memref<1x4x32x32xf32, #tpu.memory_space<vmem>>
      %dma_start3A_376 = arith.constant 0 : i32
      %dma_start3A_377 = arith.constant 0 : i32
      %dma_start3A_378 = arith.constant 0 : i32
      %dma_start3A_379 = tpu.memref_slice %arg2[%reduce_sum3A_199, %dma_start3A_376, %dma_start3A_377, %dma_start3A_378] : memref<8192x4x32x32xf32, #tpu.memory_space<hbm>> -> memref<1x4x32x32xf32, #tpu.memory_space<hbm>>
      %dma_start3A_380 = arith.constant 1 : i32
      %dma_start3A_381 = arith.constant 0 : i32
      %dma_start3A_382 = arith.constant 0 : i32
      %dma_start3A_383 = arith.constant 0 : i32
      %dma_start3A_384 = tpu.memref_slice %arg8[%dma_start3A_380, %dma_start3A_381, %dma_start3A_382, %dma_start3A_383] : memref<4x4x32x32xf32, #tpu.memory_space<vmem>> -> memref<1x4x32x32xf32, #tpu.memory_space<vmem>>
      %dma_start3A_385 = arith.constant 0 : i32
      %dma_start3A_386 = arith.constant 0 : i32
      %dma_start3A_387 = arith.constant 0 : i32
      %dma_start3A_388 = tpu.memref_slice %arg2[%reduce_sum3A_199, %dma_start3A_385, %dma_start3A_386, %dma_start3A_387] : memref<8192x4x32x32xf32, #tpu.memory_space<hbm>> -> memref<1x4x32x32xf32, #tpu.memory_space<hbm>>
      tpu.enqueue_dma source(%dma_start3A_388 : memref<1x4x32x32xf32, #tpu.memory_space<hbm>>) target(%dma_start3A_384 : memref<1x4x32x32xf32, #tpu.memory_space<vmem>>) target_semaphore(%arg10 : memref<!tpu.dma_semaphore, #tpu.memory_space<semaphore_mem>>)
      %dma_start3A_389 = arith.constant 2 : i32
      %dma_start3A_390 = arith.constant 0 : i32
      %dma_start3A_391 = arith.constant 0 : i32
      %dma_start3A_392 = arith.constant 0 : i32
      %dma_start3A_393 = tpu.memref_slice %arg8[%dma_start3A_389, %dma_start3A_390, %dma_start3A_391, %dma_start3A_392] : memref<4x4x32x32xf32, #tpu.memory_space<vmem>> -> memref<1x4x32x32xf32, #tpu.memory_space<vmem>>
      %dma_start3A_394 = arith.constant 0 : i32
      %dma_start3A_395 = arith.constant 0 : i32
      %dma_start3A_396 = arith.constant 0 : i32
      %dma_start3A_397 = tpu.memref_slice %arg2[%reduce_sum3A_210, %dma_start3A_394, %dma_start3A_395, %dma_start3A_396] : memref<8192x4x32x32xf32, #tpu.memory_space<hbm>> -> memref<1x4x32x32xf32, #tpu.memory_space<hbm>>
      %dma_start3A_398 = arith.constant 2 : i32
      %dma_start3A_399 = arith.constant 0 : i32
      %dma_start3A_400 = arith.constant 0 : i32
      %dma_start3A_401 = arith.constant 0 : i32
      %dma_start3A_402 = tpu.memref_slice %arg8[%dma_start3A_398, %dma_start3A_399, %dma_start3A_400, %dma_start3A_401] : memref<4x4x32x32xf32, #tpu.memory_space<vmem>> -> memref<1x4x32x32xf32, #tpu.memory_space<vmem>>
      %dma_start3A_403 = arith.constant 0 : i32
      %dma_start3A_404 = arith.constant 0 : i32
      %dma_start3A_405 = arith.constant 0 : i32
      %dma_start3A_406 = tpu.memref_slice %arg2[%reduce_sum3A_210, %dma_start3A_403, %dma_start3A_404, %dma_start3A_405] : memref<8192x4x32x32xf32, #tpu.memory_space<hbm>> -> memref<1x4x32x32xf32, #tpu.memory_space<hbm>>
      tpu.enqueue_dma source(%dma_start3A_406 : memref<1x4x32x32xf32, #tpu.memory_space<hbm>>) target(%dma_start3A_402 : memref<1x4x32x32xf32, #tpu.memory_space<vmem>>) target_semaphore(%arg10 : memref<!tpu.dma_semaphore, #tpu.memory_space<semaphore_mem>>)
      %dma_start3A_407 = arith.constant 3 : i32
      %dma_start3A_408 = arith.constant 0 : i32
      %dma_start3A_409 = arith.constant 0 : i32
      %dma_start3A_410 = arith.constant 0 : i32
      %dma_start3A_411 = tpu.memref_slice %arg8[%dma_start3A_407, %dma_start3A_408, %dma_start3A_409, %dma_start3A_410] : memref<4x4x32x32xf32, #tpu.memory_space<vmem>> -> memref<1x4x32x32xf32, #tpu.memory_space<vmem>>
      %dma_start3A_412 = arith.constant 0 : i32
      %dma_start3A_413 = arith.constant 0 : i32
      %dma_start3A_414 = arith.constant 0 : i32
      %dma_start3A_415 = tpu.memref_slice %arg2[%reduce_sum3A_221, %dma_start3A_412, %dma_start3A_413, %dma_start3A_414] : memref<8192x4x32x32xf32, #tpu.memory_space<hbm>> -> memref<1x4x32x32xf32, #tpu.memory_space<hbm>>
      %dma_start3A_416 = arith.constant 3 : i32
      %dma_start3A_417 = arith.constant 0 : i32
      %dma_start3A_418 = arith.constant 0 : i32
      %dma_start3A_419 = arith.constant 0 : i32
      %dma_start3A_420 = tpu.memref_slice %arg8[%dma_start3A_416, %dma_start3A_417, %dma_start3A_418, %dma_start3A_419] : memref<4x4x32x32xf32, #tpu.memory_space<vmem>> -> memref<1x4x32x32xf32, #tpu.memory_space<vmem>>
      %dma_start3A_421 = arith.constant 0 : i32
      %dma_start3A_422 = arith.constant 0 : i32
      %dma_start3A_423 = arith.constant 0 : i32
      %dma_start3A_424 = tpu.memref_slice %arg2[%reduce_sum3A_221, %dma_start3A_421, %dma_start3A_422, %dma_start3A_423] : memref<8192x4x32x32xf32, #tpu.memory_space<hbm>> -> memref<1x4x32x32xf32, #tpu.memory_space<hbm>>
      tpu.enqueue_dma source(%dma_start3A_424 : memref<1x4x32x32xf32, #tpu.memory_space<hbm>>) target(%dma_start3A_420 : memref<1x4x32x32xf32, #tpu.memory_space<vmem>>) target_semaphore(%arg10 : memref<!tpu.dma_semaphore, #tpu.memory_space<semaphore_mem>>)
      %dma_wait3A = arith.constant 0 : i32
      %dma_wait3A_425 = arith.constant 0 : i32
      %dma_wait3A_426 = arith.constant 0 : i32
      %dma_wait3A_427 = arith.constant 0 : i32
      %dma_wait3A_428 = tpu.memref_slice %arg8[%dma_wait3A, %dma_wait3A_425, %dma_wait3A_426, %dma_wait3A_427] : memref<4x4x32x32xf32, #tpu.memory_space<vmem>> -> memref<1x4x32x32xf32, #tpu.memory_space<vmem>>
      %dma_wait3A_429 = arith.constant 0 : i32
      %dma_wait3A_430 = arith.constant 0 : i32
      %dma_wait3A_431 = arith.constant 0 : i32
      %dma_wait3A_432 = tpu.memref_slice %arg2[%reduce_sum3A_188, %dma_wait3A_429, %dma_wait3A_430, %dma_wait3A_431] : memref<8192x4x32x32xf32, #tpu.memory_space<hbm>> -> memref<1x4x32x32xf32, #tpu.memory_space<hbm>>
      %dma_wait3A_433 = arith.constant 0 : i32
      %dma_wait3A_434 = arith.constant 0 : i32
      %dma_wait3A_435 = arith.constant 0 : i32
      %dma_wait3A_436 = arith.constant 0 : i32
      %dma_wait3A_437 = tpu.memref_slice %arg8[%dma_wait3A_433, %dma_wait3A_434, %dma_wait3A_435, %dma_wait3A_436] : memref<4x4x32x32xf32, #tpu.memory_space<vmem>> -> memref<1x4x32x32xf32, #tpu.memory_space<vmem>>
      %dma_wait3A_438 = arith.constant 0 : i32
      %dma_wait3A_439 = arith.constant 0 : i32
      %dma_wait3A_440 = arith.constant 0 : i32
      %dma_wait3A_441 = tpu.memref_slice %arg2[%reduce_sum3A_188, %dma_wait3A_438, %dma_wait3A_439, %dma_wait3A_440] : memref<8192x4x32x32xf32, #tpu.memory_space<hbm>> -> memref<1x4x32x32xf32, #tpu.memory_space<hbm>>
      tpu.wait_dma2 semaphore(%arg10 : memref<!tpu.dma_semaphore, #tpu.memory_space<semaphore_mem>>) src(%dma_wait3A_441 : memref<1x4x32x32xf32, #tpu.memory_space<hbm>>) dst(%dma_wait3A_437 : memref<1x4x32x32xf32, #tpu.memory_space<vmem>>)
      %dma_wait3A_442 = arith.constant 1 : i32
      %dma_wait3A_443 = arith.constant 0 : i32
      %dma_wait3A_444 = arith.constant 0 : i32
      %dma_wait3A_445 = arith.constant 0 : i32
      %dma_wait3A_446 = tpu.memref_slice %arg8[%dma_wait3A_442, %dma_wait3A_443, %dma_wait3A_444, %dma_wait3A_445] : memref<4x4x32x32xf32, #tpu.memory_space<vmem>> -> memref<1x4x32x32xf32, #tpu.memory_space<vmem>>
      %dma_wait3A_447 = arith.constant 0 : i32
      %dma_wait3A_448 = arith.constant 0 : i32
      %dma_wait3A_449 = arith.constant 0 : i32
      %dma_wait3A_450 = tpu.memref_slice %arg2[%reduce_sum3A_199, %dma_wait3A_447, %dma_wait3A_448, %dma_wait3A_449] : memref<8192x4x32x32xf32, #tpu.memory_space<hbm>> -> memref<1x4x32x32xf32, #tpu.memory_space<hbm>>
      %dma_wait3A_451 = arith.constant 1 : i32
      %dma_wait3A_452 = arith.constant 0 : i32
      %dma_wait3A_453 = arith.constant 0 : i32
      %dma_wait3A_454 = arith.constant 0 : i32
      %dma_wait3A_455 = tpu.memref_slice %arg8[%dma_wait3A_451, %dma_wait3A_452, %dma_wait3A_453, %dma_wait3A_454] : memref<4x4x32x32xf32, #tpu.memory_space<vmem>> -> memref<1x4x32x32xf32, #tpu.memory_space<vmem>>
      %dma_wait3A_456 = arith.constant 0 : i32
      %dma_wait3A_457 = arith.constant 0 : i32
      %dma_wait3A_458 = arith.constant 0 : i32
      %dma_wait3A_459 = tpu.memref_slice %arg2[%reduce_sum3A_199, %dma_wait3A_456, %dma_wait3A_457, %dma_wait3A_458] : memref<8192x4x32x32xf32, #tpu.memory_space<hbm>> -> memref<1x4x32x32xf32, #tpu.memory_space<hbm>>
      tpu.wait_dma2 semaphore(%arg10 : memref<!tpu.dma_semaphore, #tpu.memory_space<semaphore_mem>>) src(%dma_wait3A_459 : memref<1x4x32x32xf32, #tpu.memory_space<hbm>>) dst(%dma_wait3A_455 : memref<1x4x32x32xf32, #tpu.memory_space<vmem>>)
      %dma_wait3A_460 = arith.constant 2 : i32
      %dma_wait3A_461 = arith.constant 0 : i32
      %dma_wait3A_462 = arith.constant 0 : i32
      %dma_wait3A_463 = arith.constant 0 : i32
      %dma_wait3A_464 = tpu.memref_slice %arg8[%dma_wait3A_460, %dma_wait3A_461, %dma_wait3A_462, %dma_wait3A_463] : memref<4x4x32x32xf32, #tpu.memory_space<vmem>> -> memref<1x4x32x32xf32, #tpu.memory_space<vmem>>
      %dma_wait3A_465 = arith.constant 0 : i32
      %dma_wait3A_466 = arith.constant 0 : i32
      %dma_wait3A_467 = arith.constant 0 : i32
      %dma_wait3A_468 = tpu.memref_slice %arg2[%reduce_sum3A_210, %dma_wait3A_465, %dma_wait3A_466, %dma_wait3A_467] : memref<8192x4x32x32xf32, #tpu.memory_space<hbm>> -> memref<1x4x32x32xf32, #tpu.memory_space<hbm>>
      %dma_wait3A_469 = arith.constant 2 : i32
      %dma_wait3A_470 = arith.constant 0 : i32
      %dma_wait3A_471 = arith.constant 0 : i32
      %dma_wait3A_472 = arith.constant 0 : i32
      %dma_wait3A_473 = tpu.memref_slice %arg8[%dma_wait3A_469, %dma_wait3A_470, %dma_wait3A_471, %dma_wait3A_472] : memref<4x4x32x32xf32, #tpu.memory_space<vmem>> -> memref<1x4x32x32xf32, #tpu.memory_space<vmem>>
      %dma_wait3A_474 = arith.constant 0 : i32
      %dma_wait3A_475 = arith.constant 0 : i32
      %dma_wait3A_476 = arith.constant 0 : i32
      %dma_wait3A_477 = tpu.memref_slice %arg2[%reduce_sum3A_210, %dma_wait3A_474, %dma_wait3A_475, %dma_wait3A_476] : memref<8192x4x32x32xf32, #tpu.memory_space<hbm>> -> memref<1x4x32x32xf32, #tpu.memory_space<hbm>>
      tpu.wait_dma2 semaphore(%arg10 : memref<!tpu.dma_semaphore, #tpu.memory_space<semaphore_mem>>) src(%dma_wait3A_477 : memref<1x4x32x32xf32, #tpu.memory_space<hbm>>) dst(%dma_wait3A_473 : memref<1x4x32x32xf32, #tpu.memory_space<vmem>>)
      %dma_wait3A_478 = arith.constant 3 : i32
      %dma_wait3A_479 = arith.constant 0 : i32
      %dma_wait3A_480 = arith.constant 0 : i32
      %dma_wait3A_481 = arith.constant 0 : i32
      %dma_wait3A_482 = tpu.memref_slice %arg8[%dma_wait3A_478, %dma_wait3A_479, %dma_wait3A_480, %dma_wait3A_481] : memref<4x4x32x32xf32, #tpu.memory_space<vmem>> -> memref<1x4x32x32xf32, #tpu.memory_space<vmem>>
      %dma_wait3A_483 = arith.constant 0 : i32
      %dma_wait3A_484 = arith.constant 0 : i32
      %dma_wait3A_485 = arith.constant 0 : i32
      %dma_wait3A_486 = tpu.memref_slice %arg2[%reduce_sum3A_221, %dma_wait3A_483, %dma_wait3A_484, %dma_wait3A_485] : memref<8192x4x32x32xf32, #tpu.memory_space<hbm>> -> memref<1x4x32x32xf32, #tpu.memory_space<hbm>>
      %dma_wait3A_487 = arith.constant 3 : i32
      %dma_wait3A_488 = arith.constant 0 : i32
      %dma_wait3A_489 = arith.constant 0 : i32
      %dma_wait3A_490 = arith.constant 0 : i32
      %dma_wait3A_491 = tpu.memref_slice %arg8[%dma_wait3A_487, %dma_wait3A_488, %dma_wait3A_489, %dma_wait3A_490] : memref<4x4x32x32xf32, #tpu.memory_space<vmem>> -> memref<1x4x32x32xf32, #tpu.memory_space<vmem>>
      %dma_wait3A_492 = arith.constant 0 : i32
      %dma_wait3A_493 = arith.constant 0 : i32
      %dma_wait3A_494 = arith.constant 0 : i32
      %dma_wait3A_495 = tpu.memref_slice %arg2[%reduce_sum3A_221, %dma_wait3A_492, %dma_wait3A_493, %dma_wait3A_494] : memref<8192x4x32x32xf32, #tpu.memory_space<hbm>> -> memref<1x4x32x32xf32, #tpu.memory_space<hbm>>
      tpu.wait_dma2 semaphore(%arg10 : memref<!tpu.dma_semaphore, #tpu.memory_space<semaphore_mem>>) src(%dma_wait3A_495 : memref<1x4x32x32xf32, #tpu.memory_space<hbm>>) dst(%dma_wait3A_491 : memref<1x4x32x32xf32, #tpu.memory_space<vmem>>)
      %scan3A = arith.constant 0 : i32
      %scan3A_496 = arith.constant 0 : i32
      %scan3A_497 = arith.constant 256 : i32
      %scan3A_498 = arith.addi %scan3A_496, %scan3A_497 : i32
      %scan3A_499 = arith.constant 1 : i32
      %scan3A_500 = scf.for %scan3A_955 = %scan3A_496 to %scan3A_498 step %scan3A_499 iter_args(%scan3A_956 = %scan3A) -> (i32)  : i32 {
        %shift_right_logical3A = arith.constant 6 : i32
        %shift_right_logical3A_957 = arith.shrui %scan3A_955, %shift_right_logical3A : i32
        %shift_right_logical3A_958 = arith.constant 1 : i32
        %shift_right_logical3A_959 = arith.shrui %scan3A_955, %shift_right_logical3A_958 : i32
        %and3A_960 = arith.constant 31 : i32
        %and3A_961 = arith.andi %shift_right_logical3A_959, %and3A_960 : i32
        %and3A_962 = arith.constant 1 : i32
        %and3A_963 = arith.andi %scan3A_955, %and3A_962 : i32
        %shift_left3A = arith.constant 4 : i32
        %shift_left3A_964 = arith.shli %and3A_963, %shift_left3A : i32
        %broadcast_in_dim3A_965 = arith.constant 0.000000e+00 : f32
        %broadcast_in_dim3A_966 = vector.broadcast %broadcast_in_dim3A_965 : f32 to vector<16xf32>
        %get3A_967 = arith.constant 0 : i32
        %get3A_968 = arith.index_cast %get3A_967 : i32 to index
        %get3A_969 = arith.index_cast %shift_right_logical3A_957 : i32 to index
        %get3A_970 = arith.index_cast %and3A_961 : i32 to index
        %get3A_971 = arith.index_cast %shift_left3A_964 : i32 to index
        %get3A_972 = tpu.vector_load %arg8[%get3A_968, %get3A_969, %get3A_970, %get3A_971] {strides = array<i32>} : memref<4x4x32x32xf32, #tpu.memory_space<vmem>>, vector<16xf32>,
        %mul3A = vector.broadcast %reduce_sum3A_12 : f32 to vector<16xf32>
        %mul3A_973 = arith.mulf %get3A_972, %mul3A : vector<16xf32>
        %add3A = arith.addf %broadcast_in_dim3A_966, %mul3A_973 : vector<16xf32>
        %get3A_974 = arith.constant 1 : i32
        %get3A_975 = arith.index_cast %get3A_974 : i32 to index
        %get3A_976 = arith.index_cast %shift_right_logical3A_957 : i32 to index
        %get3A_977 = arith.index_cast %and3A_961 : i32 to index
        %get3A_978 = arith.index_cast %shift_left3A_964 : i32 to index
        %get3A_979 = tpu.vector_load %arg8[%get3A_975, %get3A_976, %get3A_977, %get3A_978] {strides = array<i32>} : memref<4x4x32x32xf32, #tpu.memory_space<vmem>>, vector<16xf32>,
        %mul3A_980 = vector.broadcast %reduce_sum3A_23 : f32 to vector<16xf32>
        %mul3A_981 = arith.mulf %get3A_979, %mul3A_980 : vector<16xf32>
        %add3A_982 = arith.addf %add3A, %mul3A_981 : vector<16xf32>
        %get3A_983 = arith.constant 2 : i32
        %get3A_984 = arith.index_cast %get3A_983 : i32 to index
        %get3A_985 = arith.index_cast %shift_right_logical3A_957 : i32 to index
        %get3A_986 = arith.index_cast %and3A_961 : i32 to index
        %get3A_987 = arith.index_cast %shift_left3A_964 : i32 to index
        %get3A_988 = tpu.vector_load %arg8[%get3A_984, %get3A_985, %get3A_986, %get3A_987] {strides = array<i32>} : memref<4x4x32x32xf32, #tpu.memory_space<vmem>>, vector<16xf32>,
        %mul3A_989 = vector.broadcast %reduce_sum3A_34 : f32 to vector<16xf32>
        %mul3A_990 = arith.mulf %get3A_988, %mul3A_989 : vector<16xf32>
        %add3A_991 = arith.addf %add3A_982, %mul3A_990 : vector<16xf32>
        %get3A_992 = arith.constant 3 : i32
        %get3A_993 = arith.index_cast %get3A_992 : i32 to index
        %get3A_994 = arith.index_cast %shift_right_logical3A_957 : i32 to index
        %get3A_995 = arith.index_cast %and3A_961 : i32 to index
        %get3A_996 = arith.index_cast %shift_left3A_964 : i32 to index
        %get3A_997 = tpu.vector_load %arg8[%get3A_993, %get3A_994, %get3A_995, %get3A_996] {strides = array<i32>} : memref<4x4x32x32xf32, #tpu.memory_space<vmem>>, vector<16xf32>,
        %mul3A_998 = vector.broadcast %reduce_sum3A_45 : f32 to vector<16xf32>
        %mul3A_999 = arith.mulf %get3A_997, %mul3A_998 : vector<16xf32>
        %add3A_1000 = arith.addf %add3A_991, %mul3A_999 : vector<16xf32>
        %mul3A_1001 = arith.constant 16 : i32
        %mul3A_1002 = arith.muli %scan3A_955, %mul3A_1001 : i32
        %swap3A = arith.index_cast %mul3A_1002 : i32 to index
        %swap3A_1003 = tpu.vector_load %arg9[%swap3A] {strides = array<i32>} : memref<4096xf32, #tpu.memory_space<vmem>>, vector<16xf32>,
        tpu.vector_store %arg9[%swap3A], %add3A_1000 {strides = array<i32>} : memref<4096xf32, #tpu.memory_space<vmem>>, vector<16xf32>,
        %scan3A_1004 = arith.constant 0 : i32
        scf.yield %scan3A_1004 : i32
      }
      %scan3A_501 = arith.constant 256 : i32
      %dma_start3A_502 = arith.constant 0 : i32
      %dma_start3A_503 = arith.constant 0 : i32
      %dma_start3A_504 = arith.constant 0 : i32
      %dma_start3A_505 = arith.constant 0 : i32
      %dma_start3A_506 = tpu.memref_slice %arg8[%dma_start3A_502, %dma_start3A_503, %dma_start3A_504, %dma_start3A_505] : memref<4x4x32x32xf32, #tpu.memory_space<vmem>> -> memref<1x4x32x32xf32, #tpu.memory_space<vmem>>
      %dma_start3A_507 = arith.constant 0 : i32
      %dma_start3A_508 = arith.constant 0 : i32
      %dma_start3A_509 = arith.constant 0 : i32
      %dma_start3A_510 = tpu.memref_slice %arg2[%reduce_sum3A_232, %dma_start3A_507, %dma_start3A_508, %dma_start3A_509] : memref<8192x4x32x32xf32, #tpu.memory_space<hbm>> -> memref<1x4x32x32xf32, #tpu.memory_space<hbm>>
      %dma_start3A_511 = arith.constant 0 : i32
      %dma_start3A_512 = arith.constant 0 : i32
      %dma_start3A_513 = arith.constant 0 : i32
      %dma_start3A_514 = arith.constant 0 : i32
      %dma_start3A_515 = tpu.memref_slice %arg8[%dma_start3A_511, %dma_start3A_512, %dma_start3A_513, %dma_start3A_514] : memref<4x4x32x32xf32, #tpu.memory_space<vmem>> -> memref<1x4x32x32xf32, #tpu.memory_space<vmem>>
      %dma_start3A_516 = arith.constant 0 : i32
      %dma_start3A_517 = arith.constant 0 : i32
      %dma_start3A_518 = arith.constant 0 : i32
      %dma_start3A_519 = tpu.memref_slice %arg2[%reduce_sum3A_232, %dma_start3A_516, %dma_start3A_517, %dma_start3A_518] : memref<8192x4x32x32xf32, #tpu.memory_space<hbm>> -> memref<1x4x32x32xf32, #tpu.memory_space<hbm>>
      tpu.enqueue_dma source(%dma_start3A_519 : memref<1x4x32x32xf32, #tpu.memory_space<hbm>>) target(%dma_start3A_515 : memref<1x4x32x32xf32, #tpu.memory_space<vmem>>) target_semaphore(%arg10 : memref<!tpu.dma_semaphore, #tpu.memory_space<semaphore_mem>>)
      %dma_start3A_520 = arith.constant 1 : i32
      %dma_start3A_521 = arith.constant 0 : i32
      %dma_start3A_522 = arith.constant 0 : i32
      %dma_start3A_523 = arith.constant 0 : i32
      %dma_start3A_524 = tpu.memref_slice %arg8[%dma_start3A_520, %dma_start3A_521, %dma_start3A_522, %dma_start3A_523] : memref<4x4x32x32xf32, #tpu.memory_space<vmem>> -> memref<1x4x32x32xf32, #tpu.memory_space<vmem>>
      %dma_start3A_525 = arith.constant 0 : i32
      %dma_start3A_526 = arith.constant 0 : i32
      %dma_start3A_527 = arith.constant 0 : i32
      %dma_start3A_528 = tpu.memref_slice %arg2[%reduce_sum3A_243, %dma_start3A_525, %dma_start3A_526, %dma_start3A_527] : memref<8192x4x32x32xf32, #tpu.memory_space<hbm>> -> memref<1x4x32x32xf32, #tpu.memory_space<hbm>>
      %dma_start3A_529 = arith.constant 1 : i32
      %dma_start3A_530 = arith.constant 0 : i32
      %dma_start3A_531 = arith.constant 0 : i32
      %dma_start3A_532 = arith.constant 0 : i32
      %dma_start3A_533 = tpu.memref_slice %arg8[%dma_start3A_529, %dma_start3A_530, %dma_start3A_531, %dma_start3A_532] : memref<4x4x32x32xf32, #tpu.memory_space<vmem>> -> memref<1x4x32x32xf32, #tpu.memory_space<vmem>>
      %dma_start3A_534 = arith.constant 0 : i32
      %dma_start3A_535 = arith.constant 0 : i32
      %dma_start3A_536 = arith.constant 0 : i32
      %dma_start3A_537 = tpu.memref_slice %arg2[%reduce_sum3A_243, %dma_start3A_534, %dma_start3A_535, %dma_start3A_536] : memref<8192x4x32x32xf32, #tpu.memory_space<hbm>> -> memref<1x4x32x32xf32, #tpu.memory_space<hbm>>
      tpu.enqueue_dma source(%dma_start3A_537 : memref<1x4x32x32xf32, #tpu.memory_space<hbm>>) target(%dma_start3A_533 : memref<1x4x32x32xf32, #tpu.memory_space<vmem>>) target_semaphore(%arg10 : memref<!tpu.dma_semaphore, #tpu.memory_space<semaphore_mem>>)
      %dma_start3A_538 = arith.constant 2 : i32
      %dma_start3A_539 = arith.constant 0 : i32
      %dma_start3A_540 = arith.constant 0 : i32
      %dma_start3A_541 = arith.constant 0 : i32
      %dma_start3A_542 = tpu.memref_slice %arg8[%dma_start3A_538, %dma_start3A_539, %dma_start3A_540, %dma_start3A_541] : memref<4x4x32x32xf32, #tpu.memory_space<vmem>> -> memref<1x4x32x32xf32, #tpu.memory_space<vmem>>
      %dma_start3A_543 = arith.constant 0 : i32
      %dma_start3A_544 = arith.constant 0 : i32
      %dma_start3A_545 = arith.constant 0 : i32
      %dma_start3A_546 = tpu.memref_slice %arg2[%reduce_sum3A_254, %dma_start3A_543, %dma_start3A_544, %dma_start3A_545] : memref<8192x4x32x32xf32, #tpu.memory_space<hbm>> -> memref<1x4x32x32xf32, #tpu.memory_space<hbm>>
      %dma_start3A_547 = arith.constant 2 : i32
      %dma_start3A_548 = arith.constant 0 : i32
      %dma_start3A_549 = arith.constant 0 : i32
      %dma_start3A_550 = arith.constant 0 : i32
      %dma_start3A_551 = tpu.memref_slice %arg8[%dma_start3A_547, %dma_start3A_548, %dma_start3A_549, %dma_start3A_550] : memref<4x4x32x32xf32, #tpu.memory_space<vmem>> -> memref<1x4x32x32xf32, #tpu.memory_space<vmem>>
      %dma_start3A_552 = arith.constant 0 : i32
      %dma_start3A_553 = arith.constant 0 : i32
      %dma_start3A_554 = arith.constant 0 : i32
      %dma_start3A_555 = tpu.memref_slice %arg2[%reduce_sum3A_254, %dma_start3A_552, %dma_start3A_553, %dma_start3A_554] : memref<8192x4x32x32xf32, #tpu.memory_space<hbm>> -> memref<1x4x32x32xf32, #tpu.memory_space<hbm>>
      tpu.enqueue_dma source(%dma_start3A_555 : memref<1x4x32x32xf32, #tpu.memory_space<hbm>>) target(%dma_start3A_551 : memref<1x4x32x32xf32, #tpu.memory_space<vmem>>) target_semaphore(%arg10 : memref<!tpu.dma_semaphore, #tpu.memory_space<semaphore_mem>>)
      %dma_start3A_556 = arith.constant 3 : i32
      %dma_start3A_557 = arith.constant 0 : i32
      %dma_start3A_558 = arith.constant 0 : i32
      %dma_start3A_559 = arith.constant 0 : i32
      %dma_start3A_560 = tpu.memref_slice %arg8[%dma_start3A_556, %dma_start3A_557, %dma_start3A_558, %dma_start3A_559] : memref<4x4x32x32xf32, #tpu.memory_space<vmem>> -> memref<1x4x32x32xf32, #tpu.memory_space<vmem>>
      %dma_start3A_561 = arith.constant 0 : i32
      %dma_start3A_562 = arith.constant 0 : i32
      %dma_start3A_563 = arith.constant 0 : i32
      %dma_start3A_564 = tpu.memref_slice %arg2[%reduce_sum3A_265, %dma_start3A_561, %dma_start3A_562, %dma_start3A_563] : memref<8192x4x32x32xf32, #tpu.memory_space<hbm>> -> memref<1x4x32x32xf32, #tpu.memory_space<hbm>>
      %dma_start3A_565 = arith.constant 3 : i32
      %dma_start3A_566 = arith.constant 0 : i32
      %dma_start3A_567 = arith.constant 0 : i32
      %dma_start3A_568 = arith.constant 0 : i32
      %dma_start3A_569 = tpu.memref_slice %arg8[%dma_start3A_565, %dma_start3A_566, %dma_start3A_567, %dma_start3A_568] : memref<4x4x32x32xf32, #tpu.memory_space<vmem>> -> memref<1x4x32x32xf32, #tpu.memory_space<vmem>>
      %dma_start3A_570 = arith.constant 0 : i32
      %dma_start3A_571 = arith.constant 0 : i32
      %dma_start3A_572 = arith.constant 0 : i32
      %dma_start3A_573 = tpu.memref_slice %arg2[%reduce_sum3A_265, %dma_start3A_570, %dma_start3A_571, %dma_start3A_572] : memref<8192x4x32x32xf32, #tpu.memory_space<hbm>> -> memref<1x4x32x32xf32, #tpu.memory_space<hbm>>
      tpu.enqueue_dma source(%dma_start3A_573 : memref<1x4x32x32xf32, #tpu.memory_space<hbm>>) target(%dma_start3A_569 : memref<1x4x32x32xf32, #tpu.memory_space<vmem>>) target_semaphore(%arg10 : memref<!tpu.dma_semaphore, #tpu.memory_space<semaphore_mem>>)
      %dma_wait3A_574 = arith.constant 0 : i32
      %dma_wait3A_575 = arith.constant 0 : i32
      %dma_wait3A_576 = arith.constant 0 : i32
      %dma_wait3A_577 = arith.constant 0 : i32
      %dma_wait3A_578 = tpu.memref_slice %arg8[%dma_wait3A_574, %dma_wait3A_575, %dma_wait3A_576, %dma_wait3A_577] : memref<4x4x32x32xf32, #tpu.memory_space<vmem>> -> memref<1x4x32x32xf32, #tpu.memory_space<vmem>>
      %dma_wait3A_579 = arith.constant 0 : i32
      %dma_wait3A_580 = arith.constant 0 : i32
      %dma_wait3A_581 = arith.constant 0 : i32
      %dma_wait3A_582 = tpu.memref_slice %arg2[%reduce_sum3A_232, %dma_wait3A_579, %dma_wait3A_580, %dma_wait3A_581] : memref<8192x4x32x32xf32, #tpu.memory_space<hbm>> -> memref<1x4x32x32xf32, #tpu.memory_space<hbm>>
      %dma_wait3A_583 = arith.constant 0 : i32
      %dma_wait3A_584 = arith.constant 0 : i32
      %dma_wait3A_585 = arith.constant 0 : i32
      %dma_wait3A_586 = arith.constant 0 : i32
      %dma_wait3A_587 = tpu.memref_slice %arg8[%dma_wait3A_583, %dma_wait3A_584, %dma_wait3A_585, %dma_wait3A_586] : memref<4x4x32x32xf32, #tpu.memory_space<vmem>> -> memref<1x4x32x32xf32, #tpu.memory_space<vmem>>
      %dma_wait3A_588 = arith.constant 0 : i32
      %dma_wait3A_589 = arith.constant 0 : i32
      %dma_wait3A_590 = arith.constant 0 : i32
      %dma_wait3A_591 = tpu.memref_slice %arg2[%reduce_sum3A_232, %dma_wait3A_588, %dma_wait3A_589, %dma_wait3A_590] : memref<8192x4x32x32xf32, #tpu.memory_space<hbm>> -> memref<1x4x32x32xf32, #tpu.memory_space<hbm>>
      tpu.wait_dma2 semaphore(%arg10 : memref<!tpu.dma_semaphore, #tpu.memory_space<semaphore_mem>>) src(%dma_wait3A_591 : memref<1x4x32x32xf32, #tpu.memory_space<hbm>>) dst(%dma_wait3A_587 : memref<1x4x32x32xf32, #tpu.memory_space<vmem>>)
      %dma_wait3A_592 = arith.constant 1 : i32
      %dma_wait3A_593 = arith.constant 0 : i32
      %dma_wait3A_594 = arith.constant 0 : i32
      %dma_wait3A_595 = arith.constant 0 : i32
      %dma_wait3A_596 = tpu.memref_slice %arg8[%dma_wait3A_592, %dma_wait3A_593, %dma_wait3A_594, %dma_wait3A_595] : memref<4x4x32x32xf32, #tpu.memory_space<vmem>> -> memref<1x4x32x32xf32, #tpu.memory_space<vmem>>
      %dma_wait3A_597 = arith.constant 0 : i32
      %dma_wait3A_598 = arith.constant 0 : i32
      %dma_wait3A_599 = arith.constant 0 : i32
      %dma_wait3A_600 = tpu.memref_slice %arg2[%reduce_sum3A_243, %dma_wait3A_597, %dma_wait3A_598, %dma_wait3A_599] : memref<8192x4x32x32xf32, #tpu.memory_space<hbm>> -> memref<1x4x32x32xf32, #tpu.memory_space<hbm>>
      %dma_wait3A_601 = arith.constant 1 : i32
      %dma_wait3A_602 = arith.constant 0 : i32
      %dma_wait3A_603 = arith.constant 0 : i32
      %dma_wait3A_604 = arith.constant 0 : i32
      %dma_wait3A_605 = tpu.memref_slice %arg8[%dma_wait3A_601, %dma_wait3A_602, %dma_wait3A_603, %dma_wait3A_604] : memref<4x4x32x32xf32, #tpu.memory_space<vmem>> -> memref<1x4x32x32xf32, #tpu.memory_space<vmem>>
      %dma_wait3A_606 = arith.constant 0 : i32
      %dma_wait3A_607 = arith.constant 0 : i32
      %dma_wait3A_608 = arith.constant 0 : i32
      %dma_wait3A_609 = tpu.memref_slice %arg2[%reduce_sum3A_243, %dma_wait3A_606, %dma_wait3A_607, %dma_wait3A_608] : memref<8192x4x32x32xf32, #tpu.memory_space<hbm>> -> memref<1x4x32x32xf32, #tpu.memory_space<hbm>>
      tpu.wait_dma2 semaphore(%arg10 : memref<!tpu.dma_semaphore, #tpu.memory_space<semaphore_mem>>) src(%dma_wait3A_609 : memref<1x4x32x32xf32, #tpu.memory_space<hbm>>) dst(%dma_wait3A_605 : memref<1x4x32x32xf32, #tpu.memory_space<vmem>>)
      %dma_wait3A_610 = arith.constant 2 : i32
      %dma_wait3A_611 = arith.constant 0 : i32
      %dma_wait3A_612 = arith.constant 0 : i32
      %dma_wait3A_613 = arith.constant 0 : i32
      %dma_wait3A_614 = tpu.memref_slice %arg8[%dma_wait3A_610, %dma_wait3A_611, %dma_wait3A_612, %dma_wait3A_613] : memref<4x4x32x32xf32, #tpu.memory_space<vmem>> -> memref<1x4x32x32xf32, #tpu.memory_space<vmem>>
      %dma_wait3A_615 = arith.constant 0 : i32
      %dma_wait3A_616 = arith.constant 0 : i32
      %dma_wait3A_617 = arith.constant 0 : i32
      %dma_wait3A_618 = tpu.memref_slice %arg2[%reduce_sum3A_254, %dma_wait3A_615, %dma_wait3A_616, %dma_wait3A_617] : memref<8192x4x32x32xf32, #tpu.memory_space<hbm>> -> memref<1x4x32x32xf32, #tpu.memory_space<hbm>>
      %dma_wait3A_619 = arith.constant 2 : i32
      %dma_wait3A_620 = arith.constant 0 : i32
      %dma_wait3A_621 = arith.constant 0 : i32
      %dma_wait3A_622 = arith.constant 0 : i32
      %dma_wait3A_623 = tpu.memref_slice %arg8[%dma_wait3A_619, %dma_wait3A_620, %dma_wait3A_621, %dma_wait3A_622] : memref<4x4x32x32xf32, #tpu.memory_space<vmem>> -> memref<1x4x32x32xf32, #tpu.memory_space<vmem>>
      %dma_wait3A_624 = arith.constant 0 : i32
      %dma_wait3A_625 = arith.constant 0 : i32
      %dma_wait3A_626 = arith.constant 0 : i32
      %dma_wait3A_627 = tpu.memref_slice %arg2[%reduce_sum3A_254, %dma_wait3A_624, %dma_wait3A_625, %dma_wait3A_626] : memref<8192x4x32x32xf32, #tpu.memory_space<hbm>> -> memref<1x4x32x32xf32, #tpu.memory_space<hbm>>
      tpu.wait_dma2 semaphore(%arg10 : memref<!tpu.dma_semaphore, #tpu.memory_space<semaphore_mem>>) src(%dma_wait3A_627 : memref<1x4x32x32xf32, #tpu.memory_space<hbm>>) dst(%dma_wait3A_623 : memref<1x4x32x32xf32, #tpu.memory_space<vmem>>)
      %dma_wait3A_628 = arith.constant 3 : i32
      %dma_wait3A_629 = arith.constant 0 : i32
      %dma_wait3A_630 = arith.constant 0 : i32
      %dma_wait3A_631 = arith.constant 0 : i32
      %dma_wait3A_632 = tpu.memref_slice %arg8[%dma_wait3A_628, %dma_wait3A_629, %dma_wait3A_630, %dma_wait3A_631] : memref<4x4x32x32xf32, #tpu.memory_space<vmem>> -> memref<1x4x32x32xf32, #tpu.memory_space<vmem>>
      %dma_wait3A_633 = arith.constant 0 : i32
      %dma_wait3A_634 = arith.constant 0 : i32
      %dma_wait3A_635 = arith.constant 0 : i32
      %dma_wait3A_636 = tpu.memref_slice %arg2[%reduce_sum3A_265, %dma_wait3A_633, %dma_wait3A_634, %dma_wait3A_635] : memref<8192x4x32x32xf32, #tpu.memory_space<hbm>> -> memref<1x4x32x32xf32, #tpu.memory_space<hbm>>
      %dma_wait3A_637 = arith.constant 3 : i32
      %dma_wait3A_638 = arith.constant 0 : i32
      %dma_wait3A_639 = arith.constant 0 : i32
      %dma_wait3A_640 = arith.constant 0 : i32
      %dma_wait3A_641 = tpu.memref_slice %arg8[%dma_wait3A_637, %dma_wait3A_638, %dma_wait3A_639, %dma_wait3A_640] : memref<4x4x32x32xf32, #tpu.memory_space<vmem>> -> memref<1x4x32x32xf32, #tpu.memory_space<vmem>>
      %dma_wait3A_642 = arith.constant 0 : i32
      %dma_wait3A_643 = arith.constant 0 : i32
      %dma_wait3A_644 = arith.constant 0 : i32
      %dma_wait3A_645 = tpu.memref_slice %arg2[%reduce_sum3A_265, %dma_wait3A_642, %dma_wait3A_643, %dma_wait3A_644] : memref<8192x4x32x32xf32, #tpu.memory_space<hbm>> -> memref<1x4x32x32xf32, #tpu.memory_space<hbm>>
      tpu.wait_dma2 semaphore(%arg10 : memref<!tpu.dma_semaphore, #tpu.memory_space<semaphore_mem>>) src(%dma_wait3A_645 : memref<1x4x32x32xf32, #tpu.memory_space<hbm>>) dst(%dma_wait3A_641 : memref<1x4x32x32xf32, #tpu.memory_space<vmem>>)
      %scan3A_646 = arith.constant 0 : i32
      %scan3A_647 = arith.constant 0 : i32
      %scan3A_648 = arith.constant 256 : i32
      %scan3A_649 = arith.addi %scan3A_647, %scan3A_648 : i32
      %scan3A_650 = arith.constant 1 : i32
      %scan3A_651 = scf.for %scan3A_955 = %scan3A_647 to %scan3A_649 step %scan3A_650 iter_args(%scan3A_956 = %scan3A_646) -> (i32)  : i32 {
        %shift_right_logical3A = arith.constant 6 : i32
        %shift_right_logical3A_957 = arith.shrui %scan3A_955, %shift_right_logical3A : i32
        %shift_right_logical3A_958 = arith.constant 1 : i32
        %shift_right_logical3A_959 = arith.shrui %scan3A_955, %shift_right_logical3A_958 : i32
        %and3A_960 = arith.constant 31 : i32
        %and3A_961 = arith.andi %shift_right_logical3A_959, %and3A_960 : i32
        %and3A_962 = arith.constant 1 : i32
        %and3A_963 = arith.andi %scan3A_955, %and3A_962 : i32
        %shift_left3A = arith.constant 4 : i32
        %shift_left3A_964 = arith.shli %and3A_963, %shift_left3A : i32
        %mul3A = arith.constant 16 : i32
        %mul3A_965 = arith.muli %scan3A_955, %mul3A : i32
        %get3A_966 = arith.index_cast %mul3A_965 : i32 to index
        %get3A_967 = tpu.vector_load %arg9[%get3A_966] {strides = array<i32>} : memref<4096xf32, #tpu.memory_space<vmem>>, vector<16xf32>,
        %get3A_968 = arith.constant 0 : i32
        %get3A_969 = arith.index_cast %get3A_968 : i32 to index
        %get3A_970 = arith.index_cast %shift_right_logical3A_957 : i32 to index
        %get3A_971 = arith.index_cast %and3A_961 : i32 to index
        %get3A_972 = arith.index_cast %shift_left3A_964 : i32 to index
        %get3A_973 = tpu.vector_load %arg8[%get3A_969, %get3A_970, %get3A_971, %get3A_972] {strides = array<i32>} : memref<4x4x32x32xf32, #tpu.memory_space<vmem>>, vector<16xf32>,
        %mul3A_974 = vector.broadcast %reduce_sum3A_56 : f32 to vector<16xf32>
        %mul3A_975 = arith.mulf %get3A_973, %mul3A_974 : vector<16xf32>
        %add3A = arith.addf %get3A_967, %mul3A_975 : vector<16xf32>
        %get3A_976 = arith.constant 1 : i32
        %get3A_977 = arith.index_cast %get3A_976 : i32 to index
        %get3A_978 = arith.index_cast %shift_right_logical3A_957 : i32 to index
        %get3A_979 = arith.index_cast %and3A_961 : i32 to index
        %get3A_980 = arith.index_cast %shift_left3A_964 : i32 to index
        %get3A_981 = tpu.vector_load %arg8[%get3A_977, %get3A_978, %get3A_979, %get3A_980] {strides = array<i32>} : memref<4x4x32x32xf32, #tpu.memory_space<vmem>>, vector<16xf32>,
        %mul3A_982 = vector.broadcast %reduce_sum3A_67 : f32 to vector<16xf32>
        %mul3A_983 = arith.mulf %get3A_981, %mul3A_982 : vector<16xf32>
        %add3A_984 = arith.addf %add3A, %mul3A_983 : vector<16xf32>
        %get3A_985 = arith.constant 2 : i32
        %get3A_986 = arith.index_cast %get3A_985 : i32 to index
        %get3A_987 = arith.index_cast %shift_right_logical3A_957 : i32 to index
        %get3A_988 = arith.index_cast %and3A_961 : i32 to index
        %get3A_989 = arith.index_cast %shift_left3A_964 : i32 to index
        %get3A_990 = tpu.vector_load %arg8[%get3A_986, %get3A_987, %get3A_988, %get3A_989] {strides = array<i32>} : memref<4x4x32x32xf32, #tpu.memory_space<vmem>>, vector<16xf32>,
        %mul3A_991 = vector.broadcast %reduce_sum3A_78 : f32 to vector<16xf32>
        %mul3A_992 = arith.mulf %get3A_990, %mul3A_991 : vector<16xf32>
        %add3A_993 = arith.addf %add3A_984, %mul3A_992 : vector<16xf32>
        %get3A_994 = arith.constant 3 : i32
        %get3A_995 = arith.index_cast %get3A_994 : i32 to index
        %get3A_996 = arith.index_cast %shift_right_logical3A_957 : i32 to index
        %get3A_997 = arith.index_cast %and3A_961 : i32 to index
        %get3A_998 = arith.index_cast %shift_left3A_964 : i32 to index
        %get3A_999 = tpu.vector_load %arg8[%get3A_995, %get3A_996, %get3A_997, %get3A_998] {strides = array<i32>} : memref<4x4x32x32xf32, #tpu.memory_space<vmem>>, vector<16xf32>,
        %mul3A_1000 = vector.broadcast %reduce_sum3A_89 : f32 to vector<16xf32>
        %mul3A_1001 = arith.mulf %get3A_999, %mul3A_1000 : vector<16xf32>
        %add3A_1002 = arith.addf %add3A_993, %mul3A_1001 : vector<16xf32>
        %mul3A_1003 = arith.constant 16 : i32
        %mul3A_1004 = arith.muli %scan3A_955, %mul3A_1003 : i32
        %swap3A = arith.index_cast %mul3A_1004 : i32 to index
        %swap3A_1005 = tpu.vector_load %arg9[%swap3A] {strides = array<i32>} : memref<4096xf32, #tpu.memory_space<vmem>>, vector<16xf32>,
        tpu.vector_store %arg9[%swap3A], %add3A_1002 {strides = array<i32>} : memref<4096xf32, #tpu.memory_space<vmem>>, vector<16xf32>,
        %scan3A_1006 = arith.constant 0 : i32
        scf.yield %scan3A_1006 : i32
      }
      %scan3A_652 = arith.constant 256 : i32
      %dma_start3A_653 = arith.constant 0 : i32
      %dma_start3A_654 = arith.constant 0 : i32
      %dma_start3A_655 = arith.constant 0 : i32
      %dma_start3A_656 = arith.constant 0 : i32
      %dma_start3A_657 = tpu.memref_slice %arg8[%dma_start3A_653, %dma_start3A_654, %dma_start3A_655, %dma_start3A_656] : memref<4x4x32x32xf32, #tpu.memory_space<vmem>> -> memref<1x4x32x32xf32, #tpu.memory_space<vmem>>
      %dma_start3A_658 = arith.constant 0 : i32
      %dma_start3A_659 = arith.constant 0 : i32
      %dma_start3A_660 = arith.constant 0 : i32
      %dma_start3A_661 = tpu.memref_slice %arg2[%reduce_sum3A_276, %dma_start3A_658, %dma_start3A_659, %dma_start3A_660] : memref<8192x4x32x32xf32, #tpu.memory_space<hbm>> -> memref<1x4x32x32xf32, #tpu.memory_space<hbm>>
      %dma_start3A_662 = arith.constant 0 : i32
      %dma_start3A_663 = arith.constant 0 : i32
      %dma_start3A_664 = arith.constant 0 : i32
      %dma_start3A_665 = arith.constant 0 : i32
      %dma_start3A_666 = tpu.memref_slice %arg8[%dma_start3A_662, %dma_start3A_663, %dma_start3A_664, %dma_start3A_665] : memref<4x4x32x32xf32, #tpu.memory_space<vmem>> -> memref<1x4x32x32xf32, #tpu.memory_space<vmem>>
      %dma_start3A_667 = arith.constant 0 : i32
      %dma_start3A_668 = arith.constant 0 : i32
      %dma_start3A_669 = arith.constant 0 : i32
      %dma_start3A_670 = tpu.memref_slice %arg2[%reduce_sum3A_276, %dma_start3A_667, %dma_start3A_668, %dma_start3A_669] : memref<8192x4x32x32xf32, #tpu.memory_space<hbm>> -> memref<1x4x32x32xf32, #tpu.memory_space<hbm>>
      tpu.enqueue_dma source(%dma_start3A_670 : memref<1x4x32x32xf32, #tpu.memory_space<hbm>>) target(%dma_start3A_666 : memref<1x4x32x32xf32, #tpu.memory_space<vmem>>) target_semaphore(%arg10 : memref<!tpu.dma_semaphore, #tpu.memory_space<semaphore_mem>>)
      %dma_start3A_671 = arith.constant 1 : i32
      %dma_start3A_672 = arith.constant 0 : i32
      %dma_start3A_673 = arith.constant 0 : i32
      %dma_start3A_674 = arith.constant 0 : i32
      %dma_start3A_675 = tpu.memref_slice %arg8[%dma_start3A_671, %dma_start3A_672, %dma_start3A_673, %dma_start3A_674] : memref<4x4x32x32xf32, #tpu.memory_space<vmem>> -> memref<1x4x32x32xf32, #tpu.memory_space<vmem>>
      %dma_start3A_676 = arith.constant 0 : i32
      %dma_start3A_677 = arith.constant 0 : i32
      %dma_start3A_678 = arith.constant 0 : i32
      %dma_start3A_679 = tpu.memref_slice %arg2[%reduce_sum3A_287, %dma_start3A_676, %dma_start3A_677, %dma_start3A_678] : memref<8192x4x32x32xf32, #tpu.memory_space<hbm>> -> memref<1x4x32x32xf32, #tpu.memory_space<hbm>>
      %dma_start3A_680 = arith.constant 1 : i32
      %dma_start3A_681 = arith.constant 0 : i32
      %dma_start3A_682 = arith.constant 0 : i32
      %dma_start3A_683 = arith.constant 0 : i32
      %dma_start3A_684 = tpu.memref_slice %arg8[%dma_start3A_680, %dma_start3A_681, %dma_start3A_682, %dma_start3A_683] : memref<4x4x32x32xf32, #tpu.memory_space<vmem>> -> memref<1x4x32x32xf32, #tpu.memory_space<vmem>>
      %dma_start3A_685 = arith.constant 0 : i32
      %dma_start3A_686 = arith.constant 0 : i32
      %dma_start3A_687 = arith.constant 0 : i32
      %dma_start3A_688 = tpu.memref_slice %arg2[%reduce_sum3A_287, %dma_start3A_685, %dma_start3A_686, %dma_start3A_687] : memref<8192x4x32x32xf32, #tpu.memory_space<hbm>> -> memref<1x4x32x32xf32, #tpu.memory_space<hbm>>
      tpu.enqueue_dma source(%dma_start3A_688 : memref<1x4x32x32xf32, #tpu.memory_space<hbm>>) target(%dma_start3A_684 : memref<1x4x32x32xf32, #tpu.memory_space<vmem>>) target_semaphore(%arg10 : memref<!tpu.dma_semaphore, #tpu.memory_space<semaphore_mem>>)
      %dma_start3A_689 = arith.constant 2 : i32
      %dma_start3A_690 = arith.constant 0 : i32
      %dma_start3A_691 = arith.constant 0 : i32
      %dma_start3A_692 = arith.constant 0 : i32
      %dma_start3A_693 = tpu.memref_slice %arg8[%dma_start3A_689, %dma_start3A_690, %dma_start3A_691, %dma_start3A_692] : memref<4x4x32x32xf32, #tpu.memory_space<vmem>> -> memref<1x4x32x32xf32, #tpu.memory_space<vmem>>
      %dma_start3A_694 = arith.constant 0 : i32
      %dma_start3A_695 = arith.constant 0 : i32
      %dma_start3A_696 = arith.constant 0 : i32
      %dma_start3A_697 = tpu.memref_slice %arg2[%reduce_sum3A_298, %dma_start3A_694, %dma_start3A_695, %dma_start3A_696] : memref<8192x4x32x32xf32, #tpu.memory_space<hbm>> -> memref<1x4x32x32xf32, #tpu.memory_space<hbm>>
      %dma_start3A_698 = arith.constant 2 : i32
      %dma_start3A_699 = arith.constant 0 : i32
      %dma_start3A_700 = arith.constant 0 : i32
      %dma_start3A_701 = arith.constant 0 : i32
      %dma_start3A_702 = tpu.memref_slice %arg8[%dma_start3A_698, %dma_start3A_699, %dma_start3A_700, %dma_start3A_701] : memref<4x4x32x32xf32, #tpu.memory_space<vmem>> -> memref<1x4x32x32xf32, #tpu.memory_space<vmem>>
      %dma_start3A_703 = arith.constant 0 : i32
      %dma_start3A_704 = arith.constant 0 : i32
      %dma_start3A_705 = arith.constant 0 : i32
      %dma_start3A_706 = tpu.memref_slice %arg2[%reduce_sum3A_298, %dma_start3A_703, %dma_start3A_704, %dma_start3A_705] : memref<8192x4x32x32xf32, #tpu.memory_space<hbm>> -> memref<1x4x32x32xf32, #tpu.memory_space<hbm>>
      tpu.enqueue_dma source(%dma_start3A_706 : memref<1x4x32x32xf32, #tpu.memory_space<hbm>>) target(%dma_start3A_702 : memref<1x4x32x32xf32, #tpu.memory_space<vmem>>) target_semaphore(%arg10 : memref<!tpu.dma_semaphore, #tpu.memory_space<semaphore_mem>>)
      %dma_start3A_707 = arith.constant 3 : i32
      %dma_start3A_708 = arith.constant 0 : i32
      %dma_start3A_709 = arith.constant 0 : i32
      %dma_start3A_710 = arith.constant 0 : i32
      %dma_start3A_711 = tpu.memref_slice %arg8[%dma_start3A_707, %dma_start3A_708, %dma_start3A_709, %dma_start3A_710] : memref<4x4x32x32xf32, #tpu.memory_space<vmem>> -> memref<1x4x32x32xf32, #tpu.memory_space<vmem>>
      %dma_start3A_712 = arith.constant 0 : i32
      %dma_start3A_713 = arith.constant 0 : i32
      %dma_start3A_714 = arith.constant 0 : i32
      %dma_start3A_715 = tpu.memref_slice %arg2[%reduce_sum3A_309, %dma_start3A_712, %dma_start3A_713, %dma_start3A_714] : memref<8192x4x32x32xf32, #tpu.memory_space<hbm>> -> memref<1x4x32x32xf32, #tpu.memory_space<hbm>>
      %dma_start3A_716 = arith.constant 3 : i32
      %dma_start3A_717 = arith.constant 0 : i32
      %dma_start3A_718 = arith.constant 0 : i32
      %dma_start3A_719 = arith.constant 0 : i32
      %dma_start3A_720 = tpu.memref_slice %arg8[%dma_start3A_716, %dma_start3A_717, %dma_start3A_718, %dma_start3A_719] : memref<4x4x32x32xf32, #tpu.memory_space<vmem>> -> memref<1x4x32x32xf32, #tpu.memory_space<vmem>>
      %dma_start3A_721 = arith.constant 0 : i32
      %dma_start3A_722 = arith.constant 0 : i32
      %dma_start3A_723 = arith.constant 0 : i32
      %dma_start3A_724 = tpu.memref_slice %arg2[%reduce_sum3A_309, %dma_start3A_721, %dma_start3A_722, %dma_start3A_723] : memref<8192x4x32x32xf32, #tpu.memory_space<hbm>> -> memref<1x4x32x32xf32, #tpu.memory_space<hbm>>
      tpu.enqueue_dma source(%dma_start3A_724 : memref<1x4x32x32xf32, #tpu.memory_space<hbm>>) target(%dma_start3A_720 : memref<1x4x32x32xf32, #tpu.memory_space<vmem>>) target_semaphore(%arg10 : memref<!tpu.dma_semaphore, #tpu.memory_space<semaphore_mem>>)
      %dma_wait3A_725 = arith.constant 0 : i32
      %dma_wait3A_726 = arith.constant 0 : i32
      %dma_wait3A_727 = arith.constant 0 : i32
      %dma_wait3A_728 = arith.constant 0 : i32
      %dma_wait3A_729 = tpu.memref_slice %arg8[%dma_wait3A_725, %dma_wait3A_726, %dma_wait3A_727, %dma_wait3A_728] : memref<4x4x32x32xf32, #tpu.memory_space<vmem>> -> memref<1x4x32x32xf32, #tpu.memory_space<vmem>>
      %dma_wait3A_730 = arith.constant 0 : i32
      %dma_wait3A_731 = arith.constant 0 : i32
      %dma_wait3A_732 = arith.constant 0 : i32
      %dma_wait3A_733 = tpu.memref_slice %arg2[%reduce_sum3A_276, %dma_wait3A_730, %dma_wait3A_731, %dma_wait3A_732] : memref<8192x4x32x32xf32, #tpu.memory_space<hbm>> -> memref<1x4x32x32xf32, #tpu.memory_space<hbm>>
      %dma_wait3A_734 = arith.constant 0 : i32
      %dma_wait3A_735 = arith.constant 0 : i32
      %dma_wait3A_736 = arith.constant 0 : i32
      %dma_wait3A_737 = arith.constant 0 : i32
      %dma_wait3A_738 = tpu.memref_slice %arg8[%dma_wait3A_734, %dma_wait3A_735, %dma_wait3A_736, %dma_wait3A_737] : memref<4x4x32x32xf32, #tpu.memory_space<vmem>> -> memref<1x4x32x32xf32, #tpu.memory_space<vmem>>
      %dma_wait3A_739 = arith.constant 0 : i32
      %dma_wait3A_740 = arith.constant 0 : i32
      %dma_wait3A_741 = arith.constant 0 : i32
      %dma_wait3A_742 = tpu.memref_slice %arg2[%reduce_sum3A_276, %dma_wait3A_739, %dma_wait3A_740, %dma_wait3A_741] : memref<8192x4x32x32xf32, #tpu.memory_space<hbm>> -> memref<1x4x32x32xf32, #tpu.memory_space<hbm>>
      tpu.wait_dma2 semaphore(%arg10 : memref<!tpu.dma_semaphore, #tpu.memory_space<semaphore_mem>>) src(%dma_wait3A_742 : memref<1x4x32x32xf32, #tpu.memory_space<hbm>>) dst(%dma_wait3A_738 : memref<1x4x32x32xf32, #tpu.memory_space<vmem>>)
      %dma_wait3A_743 = arith.constant 1 : i32
      %dma_wait3A_744 = arith.constant 0 : i32
      %dma_wait3A_745 = arith.constant 0 : i32
      %dma_wait3A_746 = arith.constant 0 : i32
      %dma_wait3A_747 = tpu.memref_slice %arg8[%dma_wait3A_743, %dma_wait3A_744, %dma_wait3A_745, %dma_wait3A_746] : memref<4x4x32x32xf32, #tpu.memory_space<vmem>> -> memref<1x4x32x32xf32, #tpu.memory_space<vmem>>
      %dma_wait3A_748 = arith.constant 0 : i32
      %dma_wait3A_749 = arith.constant 0 : i32
      %dma_wait3A_750 = arith.constant 0 : i32
      %dma_wait3A_751 = tpu.memref_slice %arg2[%reduce_sum3A_287, %dma_wait3A_748, %dma_wait3A_749, %dma_wait3A_750] : memref<8192x4x32x32xf32, #tpu.memory_space<hbm>> -> memref<1x4x32x32xf32, #tpu.memory_space<hbm>>
      %dma_wait3A_752 = arith.constant 1 : i32
      %dma_wait3A_753 = arith.constant 0 : i32
      %dma_wait3A_754 = arith.constant 0 : i32
      %dma_wait3A_755 = arith.constant 0 : i32
      %dma_wait3A_756 = tpu.memref_slice %arg8[%dma_wait3A_752, %dma_wait3A_753, %dma_wait3A_754, %dma_wait3A_755] : memref<4x4x32x32xf32, #tpu.memory_space<vmem>> -> memref<1x4x32x32xf32, #tpu.memory_space<vmem>>
      %dma_wait3A_757 = arith.constant 0 : i32
      %dma_wait3A_758 = arith.constant 0 : i32
      %dma_wait3A_759 = arith.constant 0 : i32
      %dma_wait3A_760 = tpu.memref_slice %arg2[%reduce_sum3A_287, %dma_wait3A_757, %dma_wait3A_758, %dma_wait3A_759] : memref<8192x4x32x32xf32, #tpu.memory_space<hbm>> -> memref<1x4x32x32xf32, #tpu.memory_space<hbm>>
      tpu.wait_dma2 semaphore(%arg10 : memref<!tpu.dma_semaphore, #tpu.memory_space<semaphore_mem>>) src(%dma_wait3A_760 : memref<1x4x32x32xf32, #tpu.memory_space<hbm>>) dst(%dma_wait3A_756 : memref<1x4x32x32xf32, #tpu.memory_space<vmem>>)
      %dma_wait3A_761 = arith.constant 2 : i32
      %dma_wait3A_762 = arith.constant 0 : i32
      %dma_wait3A_763 = arith.constant 0 : i32
      %dma_wait3A_764 = arith.constant 0 : i32
      %dma_wait3A_765 = tpu.memref_slice %arg8[%dma_wait3A_761, %dma_wait3A_762, %dma_wait3A_763, %dma_wait3A_764] : memref<4x4x32x32xf32, #tpu.memory_space<vmem>> -> memref<1x4x32x32xf32, #tpu.memory_space<vmem>>
      %dma_wait3A_766 = arith.constant 0 : i32
      %dma_wait3A_767 = arith.constant 0 : i32
      %dma_wait3A_768 = arith.constant 0 : i32
      %dma_wait3A_769 = tpu.memref_slice %arg2[%reduce_sum3A_298, %dma_wait3A_766, %dma_wait3A_767, %dma_wait3A_768] : memref<8192x4x32x32xf32, #tpu.memory_space<hbm>> -> memref<1x4x32x32xf32, #tpu.memory_space<hbm>>
      %dma_wait3A_770 = arith.constant 2 : i32
      %dma_wait3A_771 = arith.constant 0 : i32
      %dma_wait3A_772 = arith.constant 0 : i32
      %dma_wait3A_773 = arith.constant 0 : i32
      %dma_wait3A_774 = tpu.memref_slice %arg8[%dma_wait3A_770, %dma_wait3A_771, %dma_wait3A_772, %dma_wait3A_773] : memref<4x4x32x32xf32, #tpu.memory_space<vmem>> -> memref<1x4x32x32xf32, #tpu.memory_space<vmem>>
      %dma_wait3A_775 = arith.constant 0 : i32
      %dma_wait3A_776 = arith.constant 0 : i32
      %dma_wait3A_777 = arith.constant 0 : i32
      %dma_wait3A_778 = tpu.memref_slice %arg2[%reduce_sum3A_298, %dma_wait3A_775, %dma_wait3A_776, %dma_wait3A_777] : memref<8192x4x32x32xf32, #tpu.memory_space<hbm>> -> memref<1x4x32x32xf32, #tpu.memory_space<hbm>>
      tpu.wait_dma2 semaphore(%arg10 : memref<!tpu.dma_semaphore, #tpu.memory_space<semaphore_mem>>) src(%dma_wait3A_778 : memref<1x4x32x32xf32, #tpu.memory_space<hbm>>) dst(%dma_wait3A_774 : memref<1x4x32x32xf32, #tpu.memory_space<vmem>>)
      %dma_wait3A_779 = arith.constant 3 : i32
      %dma_wait3A_780 = arith.constant 0 : i32
      %dma_wait3A_781 = arith.constant 0 : i32
      %dma_wait3A_782 = arith.constant 0 : i32
      %dma_wait3A_783 = tpu.memref_slice %arg8[%dma_wait3A_779, %dma_wait3A_780, %dma_wait3A_781, %dma_wait3A_782] : memref<4x4x32x32xf32, #tpu.memory_space<vmem>> -> memref<1x4x32x32xf32, #tpu.memory_space<vmem>>
      %dma_wait3A_784 = arith.constant 0 : i32
      %dma_wait3A_785 = arith.constant 0 : i32
      %dma_wait3A_786 = arith.constant 0 : i32
      %dma_wait3A_787 = tpu.memref_slice %arg2[%reduce_sum3A_309, %dma_wait3A_784, %dma_wait3A_785, %dma_wait3A_786] : memref<8192x4x32x32xf32, #tpu.memory_space<hbm>> -> memref<1x4x32x32xf32, #tpu.memory_space<hbm>>
      %dma_wait3A_788 = arith.constant 3 : i32
      %dma_wait3A_789 = arith.constant 0 : i32
      %dma_wait3A_790 = arith.constant 0 : i32
      %dma_wait3A_791 = arith.constant 0 : i32
      %dma_wait3A_792 = tpu.memref_slice %arg8[%dma_wait3A_788, %dma_wait3A_789, %dma_wait3A_790, %dma_wait3A_791] : memref<4x4x32x32xf32, #tpu.memory_space<vmem>> -> memref<1x4x32x32xf32, #tpu.memory_space<vmem>>
      %dma_wait3A_793 = arith.constant 0 : i32
      %dma_wait3A_794 = arith.constant 0 : i32
      %dma_wait3A_795 = arith.constant 0 : i32
      %dma_wait3A_796 = tpu.memref_slice %arg2[%reduce_sum3A_309, %dma_wait3A_793, %dma_wait3A_794, %dma_wait3A_795] : memref<8192x4x32x32xf32, #tpu.memory_space<hbm>> -> memref<1x4x32x32xf32, #tpu.memory_space<hbm>>
      tpu.wait_dma2 semaphore(%arg10 : memref<!tpu.dma_semaphore, #tpu.memory_space<semaphore_mem>>) src(%dma_wait3A_796 : memref<1x4x32x32xf32, #tpu.memory_space<hbm>>) dst(%dma_wait3A_792 : memref<1x4x32x32xf32, #tpu.memory_space<vmem>>)
      %scan3A_797 = arith.constant 0 : i32
      %scan3A_798 = arith.constant 0 : i32
      %scan3A_799 = arith.constant 256 : i32
      %scan3A_800 = arith.addi %scan3A_798, %scan3A_799 : i32
      %scan3A_801 = arith.constant 1 : i32
      %scan3A_802 = scf.for %scan3A_955 = %scan3A_798 to %scan3A_800 step %scan3A_801 iter_args(%scan3A_956 = %scan3A_797) -> (i32)  : i32 {
        %shift_right_logical3A = arith.constant 6 : i32
        %shift_right_logical3A_957 = arith.shrui %scan3A_955, %shift_right_logical3A : i32
        %shift_right_logical3A_958 = arith.constant 1 : i32
        %shift_right_logical3A_959 = arith.shrui %scan3A_955, %shift_right_logical3A_958 : i32
        %and3A_960 = arith.constant 31 : i32
        %and3A_961 = arith.andi %shift_right_logical3A_959, %and3A_960 : i32
        %and3A_962 = arith.constant 1 : i32
        %and3A_963 = arith.andi %scan3A_955, %and3A_962 : i32
        %shift_left3A = arith.constant 4 : i32
        %shift_left3A_964 = arith.shli %and3A_963, %shift_left3A : i32
        %mul3A = arith.constant 16 : i32
        %mul3A_965 = arith.muli %scan3A_955, %mul3A : i32
        %get3A_966 = arith.index_cast %mul3A_965 : i32 to index
        %get3A_967 = tpu.vector_load %arg9[%get3A_966] {strides = array<i32>} : memref<4096xf32, #tpu.memory_space<vmem>>, vector<16xf32>,
        %get3A_968 = arith.constant 0 : i32
        %get3A_969 = arith.index_cast %get3A_968 : i32 to index
        %get3A_970 = arith.index_cast %shift_right_logical3A_957 : i32 to index
        %get3A_971 = arith.index_cast %and3A_961 : i32 to index
        %get3A_972 = arith.index_cast %shift_left3A_964 : i32 to index
        %get3A_973 = tpu.vector_load %arg8[%get3A_969, %get3A_970, %get3A_971, %get3A_972] {strides = array<i32>} : memref<4x4x32x32xf32, #tpu.memory_space<vmem>>, vector<16xf32>,
        %mul3A_974 = vector.broadcast %reduce_sum3A_100 : f32 to vector<16xf32>
        %mul3A_975 = arith.mulf %get3A_973, %mul3A_974 : vector<16xf32>
        %add3A = arith.addf %get3A_967, %mul3A_975 : vector<16xf32>
        %get3A_976 = arith.constant 1 : i32
        %get3A_977 = arith.index_cast %get3A_976 : i32 to index
        %get3A_978 = arith.index_cast %shift_right_logical3A_957 : i32 to index
        %get3A_979 = arith.index_cast %and3A_961 : i32 to index
        %get3A_980 = arith.index_cast %shift_left3A_964 : i32 to index
        %get3A_981 = tpu.vector_load %arg8[%get3A_977, %get3A_978, %get3A_979, %get3A_980] {strides = array<i32>} : memref<4x4x32x32xf32, #tpu.memory_space<vmem>>, vector<16xf32>,
        %mul3A_982 = vector.broadcast %reduce_sum3A_111 : f32 to vector<16xf32>
        %mul3A_983 = arith.mulf %get3A_981, %mul3A_982 : vector<16xf32>
        %add3A_984 = arith.addf %add3A, %mul3A_983 : vector<16xf32>
        %get3A_985 = arith.constant 2 : i32
        %get3A_986 = arith.index_cast %get3A_985 : i32 to index
        %get3A_987 = arith.index_cast %shift_right_logical3A_957 : i32 to index
        %get3A_988 = arith.index_cast %and3A_961 : i32 to index
        %get3A_989 = arith.index_cast %shift_left3A_964 : i32 to index
        %get3A_990 = tpu.vector_load %arg8[%get3A_986, %get3A_987, %get3A_988, %get3A_989] {strides = array<i32>} : memref<4x4x32x32xf32, #tpu.memory_space<vmem>>, vector<16xf32>,
        %mul3A_991 = vector.broadcast %reduce_sum3A_122 : f32 to vector<16xf32>
        %mul3A_992 = arith.mulf %get3A_990, %mul3A_991 : vector<16xf32>
        %add3A_993 = arith.addf %add3A_984, %mul3A_992 : vector<16xf32>
        %get3A_994 = arith.constant 3 : i32
        %get3A_995 = arith.index_cast %get3A_994 : i32 to index
        %get3A_996 = arith.index_cast %shift_right_logical3A_957 : i32 to index
        %get3A_997 = arith.index_cast %and3A_961 : i32 to index
        %get3A_998 = arith.index_cast %shift_left3A_964 : i32 to index
        %get3A_999 = tpu.vector_load %arg8[%get3A_995, %get3A_996, %get3A_997, %get3A_998] {strides = array<i32>} : memref<4x4x32x32xf32, #tpu.memory_space<vmem>>, vector<16xf32>,
        %mul3A_1000 = vector.broadcast %reduce_sum3A_133 : f32 to vector<16xf32>
        %mul3A_1001 = arith.mulf %get3A_999, %mul3A_1000 : vector<16xf32>
        %add3A_1002 = arith.addf %add3A_993, %mul3A_1001 : vector<16xf32>
        %mul3A_1003 = arith.constant 16 : i32
        %mul3A_1004 = arith.muli %scan3A_955, %mul3A_1003 : i32
        %swap3A = arith.index_cast %mul3A_1004 : i32 to index
        %swap3A_1005 = tpu.vector_load %arg9[%swap3A] {strides = array<i32>} : memref<4096xf32, #tpu.memory_space<vmem>>, vector<16xf32>,
        tpu.vector_store %arg9[%swap3A], %add3A_1002 {strides = array<i32>} : memref<4096xf32, #tpu.memory_space<vmem>>, vector<16xf32>,
        %scan3A_1006 = arith.constant 0 : i32
        scf.yield %scan3A_1006 : i32
      }
      %scan3A_803 = arith.constant 256 : i32
      %dma_start3A_804 = arith.constant 0 : i32
      %dma_start3A_805 = arith.constant 0 : i32
      %dma_start3A_806 = arith.constant 0 : i32
      %dma_start3A_807 = arith.constant 0 : i32
      %dma_start3A_808 = tpu.memref_slice %arg8[%dma_start3A_804, %dma_start3A_805, %dma_start3A_806, %dma_start3A_807] : memref<4x4x32x32xf32, #tpu.memory_space<vmem>> -> memref<1x4x32x32xf32, #tpu.memory_space<vmem>>
      %dma_start3A_809 = arith.constant 0 : i32
      %dma_start3A_810 = arith.constant 0 : i32
      %dma_start3A_811 = arith.constant 0 : i32
      %dma_start3A_812 = tpu.memref_slice %arg2[%reduce_sum3A_320, %dma_start3A_809, %dma_start3A_810, %dma_start3A_811] : memref<8192x4x32x32xf32, #tpu.memory_space<hbm>> -> memref<1x4x32x32xf32, #tpu.memory_space<hbm>>
      %dma_start3A_813 = arith.constant 0 : i32
      %dma_start3A_814 = arith.constant 0 : i32
      %dma_start3A_815 = arith.constant 0 : i32
      %dma_start3A_816 = arith.constant 0 : i32
      %dma_start3A_817 = tpu.memref_slice %arg8[%dma_start3A_813, %dma_start3A_814, %dma_start3A_815, %dma_start3A_816] : memref<4x4x32x32xf32, #tpu.memory_space<vmem>> -> memref<1x4x32x32xf32, #tpu.memory_space<vmem>>
      %dma_start3A_818 = arith.constant 0 : i32
      %dma_start3A_819 = arith.constant 0 : i32
      %dma_start3A_820 = arith.constant 0 : i32
      %dma_start3A_821 = tpu.memref_slice %arg2[%reduce_sum3A_320, %dma_start3A_818, %dma_start3A_819, %dma_start3A_820] : memref<8192x4x32x32xf32, #tpu.memory_space<hbm>> -> memref<1x4x32x32xf32, #tpu.memory_space<hbm>>
      tpu.enqueue_dma source(%dma_start3A_821 : memref<1x4x32x32xf32, #tpu.memory_space<hbm>>) target(%dma_start3A_817 : memref<1x4x32x32xf32, #tpu.memory_space<vmem>>) target_semaphore(%arg10 : memref<!tpu.dma_semaphore, #tpu.memory_space<semaphore_mem>>)
      %dma_start3A_822 = arith.constant 1 : i32
      %dma_start3A_823 = arith.constant 0 : i32
      %dma_start3A_824 = arith.constant 0 : i32
      %dma_start3A_825 = arith.constant 0 : i32
      %dma_start3A_826 = tpu.memref_slice %arg8[%dma_start3A_822, %dma_start3A_823, %dma_start3A_824, %dma_start3A_825] : memref<4x4x32x32xf32, #tpu.memory_space<vmem>> -> memref<1x4x32x32xf32, #tpu.memory_space<vmem>>
      %dma_start3A_827 = arith.constant 0 : i32
      %dma_start3A_828 = arith.constant 0 : i32
      %dma_start3A_829 = arith.constant 0 : i32
      %dma_start3A_830 = tpu.memref_slice %arg2[%reduce_sum3A_331, %dma_start3A_827, %dma_start3A_828, %dma_start3A_829] : memref<8192x4x32x32xf32, #tpu.memory_space<hbm>> -> memref<1x4x32x32xf32, #tpu.memory_space<hbm>>
      %dma_start3A_831 = arith.constant 1 : i32
      %dma_start3A_832 = arith.constant 0 : i32
      %dma_start3A_833 = arith.constant 0 : i32
      %dma_start3A_834 = arith.constant 0 : i32
      %dma_start3A_835 = tpu.memref_slice %arg8[%dma_start3A_831, %dma_start3A_832, %dma_start3A_833, %dma_start3A_834] : memref<4x4x32x32xf32, #tpu.memory_space<vmem>> -> memref<1x4x32x32xf32, #tpu.memory_space<vmem>>
      %dma_start3A_836 = arith.constant 0 : i32
      %dma_start3A_837 = arith.constant 0 : i32
      %dma_start3A_838 = arith.constant 0 : i32
      %dma_start3A_839 = tpu.memref_slice %arg2[%reduce_sum3A_331, %dma_start3A_836, %dma_start3A_837, %dma_start3A_838] : memref<8192x4x32x32xf32, #tpu.memory_space<hbm>> -> memref<1x4x32x32xf32, #tpu.memory_space<hbm>>
      tpu.enqueue_dma source(%dma_start3A_839 : memref<1x4x32x32xf32, #tpu.memory_space<hbm>>) target(%dma_start3A_835 : memref<1x4x32x32xf32, #tpu.memory_space<vmem>>) target_semaphore(%arg10 : memref<!tpu.dma_semaphore, #tpu.memory_space<semaphore_mem>>)
      %dma_start3A_840 = arith.constant 2 : i32
      %dma_start3A_841 = arith.constant 0 : i32
      %dma_start3A_842 = arith.constant 0 : i32
      %dma_start3A_843 = arith.constant 0 : i32
      %dma_start3A_844 = tpu.memref_slice %arg8[%dma_start3A_840, %dma_start3A_841, %dma_start3A_842, %dma_start3A_843] : memref<4x4x32x32xf32, #tpu.memory_space<vmem>> -> memref<1x4x32x32xf32, #tpu.memory_space<vmem>>
      %dma_start3A_845 = arith.constant 0 : i32
      %dma_start3A_846 = arith.constant 0 : i32
      %dma_start3A_847 = arith.constant 0 : i32
      %dma_start3A_848 = tpu.memref_slice %arg2[%reduce_sum3A_342, %dma_start3A_845, %dma_start3A_846, %dma_start3A_847] : memref<8192x4x32x32xf32, #tpu.memory_space<hbm>> -> memref<1x4x32x32xf32, #tpu.memory_space<hbm>>
      %dma_start3A_849 = arith.constant 2 : i32
      %dma_start3A_850 = arith.constant 0 : i32
      %dma_start3A_851 = arith.constant 0 : i32
      %dma_start3A_852 = arith.constant 0 : i32
      %dma_start3A_853 = tpu.memref_slice %arg8[%dma_start3A_849, %dma_start3A_850, %dma_start3A_851, %dma_start3A_852] : memref<4x4x32x32xf32, #tpu.memory_space<vmem>> -> memref<1x4x32x32xf32, #tpu.memory_space<vmem>>
      %dma_start3A_854 = arith.constant 0 : i32
      %dma_start3A_855 = arith.constant 0 : i32
      %dma_start3A_856 = arith.constant 0 : i32
      %dma_start3A_857 = tpu.memref_slice %arg2[%reduce_sum3A_342, %dma_start3A_854, %dma_start3A_855, %dma_start3A_856] : memref<8192x4x32x32xf32, #tpu.memory_space<hbm>> -> memref<1x4x32x32xf32, #tpu.memory_space<hbm>>
      tpu.enqueue_dma source(%dma_start3A_857 : memref<1x4x32x32xf32, #tpu.memory_space<hbm>>) target(%dma_start3A_853 : memref<1x4x32x32xf32, #tpu.memory_space<vmem>>) target_semaphore(%arg10 : memref<!tpu.dma_semaphore, #tpu.memory_space<semaphore_mem>>)
      %dma_start3A_858 = arith.constant 3 : i32
      %dma_start3A_859 = arith.constant 0 : i32
      %dma_start3A_860 = arith.constant 0 : i32
      %dma_start3A_861 = arith.constant 0 : i32
      %dma_start3A_862 = tpu.memref_slice %arg8[%dma_start3A_858, %dma_start3A_859, %dma_start3A_860, %dma_start3A_861] : memref<4x4x32x32xf32, #tpu.memory_space<vmem>> -> memref<1x4x32x32xf32, #tpu.memory_space<vmem>>
      %dma_start3A_863 = arith.constant 0 : i32
      %dma_start3A_864 = arith.constant 0 : i32
      %dma_start3A_865 = arith.constant 0 : i32
      %dma_start3A_866 = tpu.memref_slice %arg2[%reduce_sum3A_353, %dma_start3A_863, %dma_start3A_864, %dma_start3A_865] : memref<8192x4x32x32xf32, #tpu.memory_space<hbm>> -> memref<1x4x32x32xf32, #tpu.memory_space<hbm>>
      %dma_start3A_867 = arith.constant 3 : i32
      %dma_start3A_868 = arith.constant 0 : i32
      %dma_start3A_869 = arith.constant 0 : i32
      %dma_start3A_870 = arith.constant 0 : i32
      %dma_start3A_871 = tpu.memref_slice %arg8[%dma_start3A_867, %dma_start3A_868, %dma_start3A_869, %dma_start3A_870] : memref<4x4x32x32xf32, #tpu.memory_space<vmem>> -> memref<1x4x32x32xf32, #tpu.memory_space<vmem>>
      %dma_start3A_872 = arith.constant 0 : i32
      %dma_start3A_873 = arith.constant 0 : i32
      %dma_start3A_874 = arith.constant 0 : i32
      %dma_start3A_875 = tpu.memref_slice %arg2[%reduce_sum3A_353, %dma_start3A_872, %dma_start3A_873, %dma_start3A_874] : memref<8192x4x32x32xf32, #tpu.memory_space<hbm>> -> memref<1x4x32x32xf32, #tpu.memory_space<hbm>>
      tpu.enqueue_dma source(%dma_start3A_875 : memref<1x4x32x32xf32, #tpu.memory_space<hbm>>) target(%dma_start3A_871 : memref<1x4x32x32xf32, #tpu.memory_space<vmem>>) target_semaphore(%arg10 : memref<!tpu.dma_semaphore, #tpu.memory_space<semaphore_mem>>)
      %dma_wait3A_876 = arith.constant 0 : i32
      %dma_wait3A_877 = arith.constant 0 : i32
      %dma_wait3A_878 = arith.constant 0 : i32
      %dma_wait3A_879 = arith.constant 0 : i32
      %dma_wait3A_880 = tpu.memref_slice %arg8[%dma_wait3A_876, %dma_wait3A_877, %dma_wait3A_878, %dma_wait3A_879] : memref<4x4x32x32xf32, #tpu.memory_space<vmem>> -> memref<1x4x32x32xf32, #tpu.memory_space<vmem>>
      %dma_wait3A_881 = arith.constant 0 : i32
      %dma_wait3A_882 = arith.constant 0 : i32
      %dma_wait3A_883 = arith.constant 0 : i32
      %dma_wait3A_884 = tpu.memref_slice %arg2[%reduce_sum3A_320, %dma_wait3A_881, %dma_wait3A_882, %dma_wait3A_883] : memref<8192x4x32x32xf32, #tpu.memory_space<hbm>> -> memref<1x4x32x32xf32, #tpu.memory_space<hbm>>
      %dma_wait3A_885 = arith.constant 0 : i32
      %dma_wait3A_886 = arith.constant 0 : i32
      %dma_wait3A_887 = arith.constant 0 : i32
      %dma_wait3A_888 = arith.constant 0 : i32
      %dma_wait3A_889 = tpu.memref_slice %arg8[%dma_wait3A_885, %dma_wait3A_886, %dma_wait3A_887, %dma_wait3A_888] : memref<4x4x32x32xf32, #tpu.memory_space<vmem>> -> memref<1x4x32x32xf32, #tpu.memory_space<vmem>>
      %dma_wait3A_890 = arith.constant 0 : i32
      %dma_wait3A_891 = arith.constant 0 : i32
      %dma_wait3A_892 = arith.constant 0 : i32
      %dma_wait3A_893 = tpu.memref_slice %arg2[%reduce_sum3A_320, %dma_wait3A_890, %dma_wait3A_891, %dma_wait3A_892] : memref<8192x4x32x32xf32, #tpu.memory_space<hbm>> -> memref<1x4x32x32xf32, #tpu.memory_space<hbm>>
      tpu.wait_dma2 semaphore(%arg10 : memref<!tpu.dma_semaphore, #tpu.memory_space<semaphore_mem>>) src(%dma_wait3A_893 : memref<1x4x32x32xf32, #tpu.memory_space<hbm>>) dst(%dma_wait3A_889 : memref<1x4x32x32xf32, #tpu.memory_space<vmem>>)
      %dma_wait3A_894 = arith.constant 1 : i32
      %dma_wait3A_895 = arith.constant 0 : i32
      %dma_wait3A_896 = arith.constant 0 : i32
      %dma_wait3A_897 = arith.constant 0 : i32
      %dma_wait3A_898 = tpu.memref_slice %arg8[%dma_wait3A_894, %dma_wait3A_895, %dma_wait3A_896, %dma_wait3A_897] : memref<4x4x32x32xf32, #tpu.memory_space<vmem>> -> memref<1x4x32x32xf32, #tpu.memory_space<vmem>>
      %dma_wait3A_899 = arith.constant 0 : i32
      %dma_wait3A_900 = arith.constant 0 : i32
      %dma_wait3A_901 = arith.constant 0 : i32
      %dma_wait3A_902 = tpu.memref_slice %arg2[%reduce_sum3A_331, %dma_wait3A_899, %dma_wait3A_900, %dma_wait3A_901] : memref<8192x4x32x32xf32, #tpu.memory_space<hbm>> -> memref<1x4x32x32xf32, #tpu.memory_space<hbm>>
      %dma_wait3A_903 = arith.constant 1 : i32
      %dma_wait3A_904 = arith.constant 0 : i32
      %dma_wait3A_905 = arith.constant 0 : i32
      %dma_wait3A_906 = arith.constant 0 : i32
      %dma_wait3A_907 = tpu.memref_slice %arg8[%dma_wait3A_903, %dma_wait3A_904, %dma_wait3A_905, %dma_wait3A_906] : memref<4x4x32x32xf32, #tpu.memory_space<vmem>> -> memref<1x4x32x32xf32, #tpu.memory_space<vmem>>
      %dma_wait3A_908 = arith.constant 0 : i32
      %dma_wait3A_909 = arith.constant 0 : i32
      %dma_wait3A_910 = arith.constant 0 : i32
      %dma_wait3A_911 = tpu.memref_slice %arg2[%reduce_sum3A_331, %dma_wait3A_908, %dma_wait3A_909, %dma_wait3A_910] : memref<8192x4x32x32xf32, #tpu.memory_space<hbm>> -> memref<1x4x32x32xf32, #tpu.memory_space<hbm>>
      tpu.wait_dma2 semaphore(%arg10 : memref<!tpu.dma_semaphore, #tpu.memory_space<semaphore_mem>>) src(%dma_wait3A_911 : memref<1x4x32x32xf32, #tpu.memory_space<hbm>>) dst(%dma_wait3A_907 : memref<1x4x32x32xf32, #tpu.memory_space<vmem>>)
      %dma_wait3A_912 = arith.constant 2 : i32
      %dma_wait3A_913 = arith.constant 0 : i32
      %dma_wait3A_914 = arith.constant 0 : i32
      %dma_wait3A_915 = arith.constant 0 : i32
      %dma_wait3A_916 = tpu.memref_slice %arg8[%dma_wait3A_912, %dma_wait3A_913, %dma_wait3A_914, %dma_wait3A_915] : memref<4x4x32x32xf32, #tpu.memory_space<vmem>> -> memref<1x4x32x32xf32, #tpu.memory_space<vmem>>
      %dma_wait3A_917 = arith.constant 0 : i32
      %dma_wait3A_918 = arith.constant 0 : i32
      %dma_wait3A_919 = arith.constant 0 : i32
      %dma_wait3A_920 = tpu.memref_slice %arg2[%reduce_sum3A_342, %dma_wait3A_917, %dma_wait3A_918, %dma_wait3A_919] : memref<8192x4x32x32xf32, #tpu.memory_space<hbm>> -> memref<1x4x32x32xf32, #tpu.memory_space<hbm>>
      %dma_wait3A_921 = arith.constant 2 : i32
      %dma_wait3A_922 = arith.constant 0 : i32
      %dma_wait3A_923 = arith.constant 0 : i32
      %dma_wait3A_924 = arith.constant 0 : i32
      %dma_wait3A_925 = tpu.memref_slice %arg8[%dma_wait3A_921, %dma_wait3A_922, %dma_wait3A_923, %dma_wait3A_924] : memref<4x4x32x32xf32, #tpu.memory_space<vmem>> -> memref<1x4x32x32xf32, #tpu.memory_space<vmem>>
      %dma_wait3A_926 = arith.constant 0 : i32
      %dma_wait3A_927 = arith.constant 0 : i32
      %dma_wait3A_928 = arith.constant 0 : i32
      %dma_wait3A_929 = tpu.memref_slice %arg2[%reduce_sum3A_342, %dma_wait3A_926, %dma_wait3A_927, %dma_wait3A_928] : memref<8192x4x32x32xf32, #tpu.memory_space<hbm>> -> memref<1x4x32x32xf32, #tpu.memory_space<hbm>>
      tpu.wait_dma2 semaphore(%arg10 : memref<!tpu.dma_semaphore, #tpu.memory_space<semaphore_mem>>) src(%dma_wait3A_929 : memref<1x4x32x32xf32, #tpu.memory_space<hbm>>) dst(%dma_wait3A_925 : memref<1x4x32x32xf32, #tpu.memory_space<vmem>>)
      %dma_wait3A_930 = arith.constant 3 : i32
      %dma_wait3A_931 = arith.constant 0 : i32
      %dma_wait3A_932 = arith.constant 0 : i32
      %dma_wait3A_933 = arith.constant 0 : i32
      %dma_wait3A_934 = tpu.memref_slice %arg8[%dma_wait3A_930, %dma_wait3A_931, %dma_wait3A_932, %dma_wait3A_933] : memref<4x4x32x32xf32, #tpu.memory_space<vmem>> -> memref<1x4x32x32xf32, #tpu.memory_space<vmem>>
      %dma_wait3A_935 = arith.constant 0 : i32
      %dma_wait3A_936 = arith.constant 0 : i32
      %dma_wait3A_937 = arith.constant 0 : i32
      %dma_wait3A_938 = tpu.memref_slice %arg2[%reduce_sum3A_353, %dma_wait3A_935, %dma_wait3A_936, %dma_wait3A_937] : memref<8192x4x32x32xf32, #tpu.memory_space<hbm>> -> memref<1x4x32x32xf32, #tpu.memory_space<hbm>>
      %dma_wait3A_939 = arith.constant 3 : i32
      %dma_wait3A_940 = arith.constant 0 : i32
      %dma_wait3A_941 = arith.constant 0 : i32
      %dma_wait3A_942 = arith.constant 0 : i32
      %dma_wait3A_943 = tpu.memref_slice %arg8[%dma_wait3A_939, %dma_wait3A_940, %dma_wait3A_941, %dma_wait3A_942] : memref<4x4x32x32xf32, #tpu.memory_space<vmem>> -> memref<1x4x32x32xf32, #tpu.memory_space<vmem>>
      %dma_wait3A_944 = arith.constant 0 : i32
      %dma_wait3A_945 = arith.constant 0 : i32
      %dma_wait3A_946 = arith.constant 0 : i32
      %dma_wait3A_947 = tpu.memref_slice %arg2[%reduce_sum3A_353, %dma_wait3A_944, %dma_wait3A_945, %dma_wait3A_946] : memref<8192x4x32x32xf32, #tpu.memory_space<hbm>> -> memref<1x4x32x32xf32, #tpu.memory_space<hbm>>
      tpu.wait_dma2 semaphore(%arg10 : memref<!tpu.dma_semaphore, #tpu.memory_space<semaphore_mem>>) src(%dma_wait3A_947 : memref<1x4x32x32xf32, #tpu.memory_space<hbm>>) dst(%dma_wait3A_943 : memref<1x4x32x32xf32, #tpu.memory_space<vmem>>)
      %scan3A_948 = arith.constant 0 : i32
      %scan3A_949 = arith.constant 0 : i32
      %scan3A_950 = arith.constant 256 : i32
      %scan3A_951 = arith.addi %scan3A_949, %scan3A_950 : i32
      %scan3A_952 = arith.constant 1 : i32
      %scan3A_953 = scf.for %scan3A_955 = %scan3A_949 to %scan3A_951 step %scan3A_952 iter_args(%scan3A_956 = %scan3A_948) -> (i32)  : i32 {
        %shift_right_logical3A = arith.constant 6 : i32
        %shift_right_logical3A_957 = arith.shrui %scan3A_955, %shift_right_logical3A : i32
        %shift_right_logical3A_958 = arith.constant 1 : i32
        %shift_right_logical3A_959 = arith.shrui %scan3A_955, %shift_right_logical3A_958 : i32
        %and3A_960 = arith.constant 31 : i32
        %and3A_961 = arith.andi %shift_right_logical3A_959, %and3A_960 : i32
        %and3A_962 = arith.constant 1 : i32
        %and3A_963 = arith.andi %scan3A_955, %and3A_962 : i32
        %shift_left3A = arith.constant 4 : i32
        %shift_left3A_964 = arith.shli %and3A_963, %shift_left3A : i32
        %mul3A = arith.constant 16 : i32
        %mul3A_965 = arith.muli %scan3A_955, %mul3A : i32
        %get3A_966 = arith.index_cast %mul3A_965 : i32 to index
        %get3A_967 = tpu.vector_load %arg9[%get3A_966] {strides = array<i32>} : memref<4096xf32, #tpu.memory_space<vmem>>, vector<16xf32>,
        %get3A_968 = arith.constant 0 : i32
        %get3A_969 = arith.index_cast %get3A_968 : i32 to index
        %get3A_970 = arith.index_cast %shift_right_logical3A_957 : i32 to index
        %get3A_971 = arith.index_cast %and3A_961 : i32 to index
        %get3A_972 = arith.index_cast %shift_left3A_964 : i32 to index
        %get3A_973 = tpu.vector_load %arg8[%get3A_969, %get3A_970, %get3A_971, %get3A_972] {strides = array<i32>} : memref<4x4x32x32xf32, #tpu.memory_space<vmem>>, vector<16xf32>,
        %mul3A_974 = vector.broadcast %reduce_sum3A_144 : f32 to vector<16xf32>
        %mul3A_975 = arith.mulf %get3A_973, %mul3A_974 : vector<16xf32>
        %add3A = arith.addf %get3A_967, %mul3A_975 : vector<16xf32>
        %get3A_976 = arith.constant 1 : i32
        %get3A_977 = arith.index_cast %get3A_976 : i32 to index
        %get3A_978 = arith.index_cast %shift_right_logical3A_957 : i32 to index
        %get3A_979 = arith.index_cast %and3A_961 : i32 to index
        %get3A_980 = arith.index_cast %shift_left3A_964 : i32 to index
        %get3A_981 = tpu.vector_load %arg8[%get3A_977, %get3A_978, %get3A_979, %get3A_980] {strides = array<i32>} : memref<4x4x32x32xf32, #tpu.memory_space<vmem>>, vector<16xf32>,
        %mul3A_982 = vector.broadcast %reduce_sum3A_155 : f32 to vector<16xf32>
        %mul3A_983 = arith.mulf %get3A_981, %mul3A_982 : vector<16xf32>
        %add3A_984 = arith.addf %add3A, %mul3A_983 : vector<16xf32>
        %get3A_985 = arith.constant 2 : i32
        %get3A_986 = arith.index_cast %get3A_985 : i32 to index
        %get3A_987 = arith.index_cast %shift_right_logical3A_957 : i32 to index
        %get3A_988 = arith.index_cast %and3A_961 : i32 to index
        %get3A_989 = arith.index_cast %shift_left3A_964 : i32 to index
        %get3A_990 = tpu.vector_load %arg8[%get3A_986, %get3A_987, %get3A_988, %get3A_989] {strides = array<i32>} : memref<4x4x32x32xf32, #tpu.memory_space<vmem>>, vector<16xf32>,
        %mul3A_991 = vector.broadcast %reduce_sum3A_166 : f32 to vector<16xf32>
        %mul3A_992 = arith.mulf %get3A_990, %mul3A_991 : vector<16xf32>
        %add3A_993 = arith.addf %add3A_984, %mul3A_992 : vector<16xf32>
        %get3A_994 = arith.constant 3 : i32
        %get3A_995 = arith.index_cast %get3A_994 : i32 to index
        %get3A_996 = arith.index_cast %shift_right_logical3A_957 : i32 to index
        %get3A_997 = arith.index_cast %and3A_961 : i32 to index
        %get3A_998 = arith.index_cast %shift_left3A_964 : i32 to index
        %get3A_999 = tpu.vector_load %arg8[%get3A_995, %get3A_996, %get3A_997, %get3A_998] {strides = array<i32>} : memref<4x4x32x32xf32, #tpu.memory_space<vmem>>, vector<16xf32>,
        %mul3A_1000 = vector.broadcast %reduce_sum3A_177 : f32 to vector<16xf32>
        %mul3A_1001 = arith.mulf %get3A_999, %mul3A_1000 : vector<16xf32>
        %add3A_1002 = arith.addf %add3A_993, %mul3A_1001 : vector<16xf32>
        %mul3A_1003 = arith.constant 16 : i32
        %mul3A_1004 = arith.muli %scan3A_955, %mul3A_1003 : i32
        %swap3A = arith.index_cast %mul3A_1004 : i32 to index
        %swap3A_1005 = tpu.vector_load %arg9[%swap3A] {strides = array<i32>} : memref<4096xf32, #tpu.memory_space<vmem>>, vector<16xf32>,
        tpu.vector_store %arg9[%swap3A], %add3A_1002 {strides = array<i32>} : memref<4096xf32, #tpu.memory_space<vmem>>, vector<16xf32>,
        %scan3A_1006 = arith.constant 0 : i32
        scf.yield %scan3A_1006 : i32
      }
      %scan3A_954 = arith.constant 256 : i32
      "tpu.region"() ({
        %run_scoped3A = tpu.sem_alloc : memref<!tpu.dma_semaphore, #tpu.memory_space<semaphore_mem>>
        tpu.enqueue_dma source(%arg9 : memref<4096xf32, #tpu.memory_space<vmem>>) target(%arg5 : memref<4096xf32, #tpu.memory_space<hbm>>) target_semaphore(%run_scoped3A : memref<!tpu.dma_semaphore, #tpu.memory_space<semaphore_mem>>)
        tpu.wait_dma2 semaphore(%run_scoped3A : memref<!tpu.dma_semaphore, #tpu.memory_space<semaphore_mem>>) src(%arg9 : memref<4096xf32, #tpu.memory_space<vmem>>) dst(%arg5 : memref<4096xf32, #tpu.memory_space<hbm>>)
        tpu.yield
      }) : () -> ()
    } else {
    }
    return
  }
}

module attributes {stable_mosaic.version = 14 : i64} {
  func.func @_sims_topk_body(%arg0: i32, %arg1: memref<1x4096xf32, #tpu.memory_space<vmem>>, %arg2: memref<512x4096xf32, #tpu.memory_space<vmem>>, %arg3: memref<1x16xf32, #tpu.memory_space<vmem>>, %arg4: memref<1x16xi32, #tpu.memory_space<vmem>>, %arg5: memref<16x512xf32, #tpu.memory_space<vmem>>) attributes {dimension_semantics = [#tpu.dimension_semantics<arbitrary>], iteration_bounds = array<i64: 16>, scalar_prefetch = 0 : i64, scratch_operands = 1 : i64, tpu.core_type = #tpu.core_type<tc>, window_params = [{pipeline_mode = #tpu.pipeline_mode<synchronous>, transform_indices = @transform_0, window_bounds = array<i64: 1, 4096>}, {transform_indices = @transform_1, window_bounds = array<i64: 512, 4096>}, {pipeline_mode = #tpu.pipeline_mode<synchronous>, transform_indices = @transform_2, window_bounds = array<i64: 1, 16>}, {pipeline_mode = #tpu.pipeline_mode<synchronous>, transform_indices = @transform_3, window_bounds = array<i64: 1, 16>}]} {
    %get3A = arith.constant 0 : index
    %get3A_0 = arith.constant 0 : index
    %get3A_1 = vector.load %arg2[%get3A, %get3A_0] : memref<512x4096xf32, #tpu.memory_space<vmem>>, vector<512x4096xf32>
    %mul3A = arith.mulf %get3A_1, %get3A_1 : vector<512x4096xf32>
    %reduce_sum3A = arith.constant dense<0.000000e+00> : vector<512xf32>
    %reduce_sum3A_2 = vector.multi_reduction <add>, %mul3A, %reduce_sum3A [1] : vector<512x4096xf32> to vector<512xf32>
    %sqrt3A = math.sqrt %reduce_sum3A_2 : vector<512xf32>
    %max3A = arith.constant 9.99999996E-13 : f32
    %max3A_3 = vector.broadcast %max3A : f32 to vector<512xf32>
    %max3A_4 = arith.maximumf %sqrt3A, %max3A_3 : vector<512xf32>
    %div3A = arith.constant 1.000000e+00 : f32
    %div3A_5 = vector.broadcast %div3A : f32 to vector<512xf32>
    %div3A_6 = arith.divf %div3A_5, %max3A_4 : vector<512xf32>
    %broadcast_in_dim3A = vector.shape_cast %div3A_6 : vector<512xf32> to vector<512x1xf32>
    %mul3A_7 = vector.broadcast %broadcast_in_dim3A : vector<512x1xf32> to vector<512x4096xf32>
    %mul3A_8 = arith.mulf %get3A_1, %mul3A_7 : vector<512x4096xf32>
    %get3A_9 = arith.constant 0 : index
    %get3A_10 = arith.constant 0 : index
    %get3A_11 = vector.load %arg1[%get3A_9, %get3A_10] : memref<1x4096xf32, #tpu.memory_space<vmem>>, vector<1x4096xf32>
    %mul3A_12 = arith.mulf %get3A_11, %get3A_11 : vector<1x4096xf32>
    %reduce_sum3A_13 = vector.shape_cast %mul3A_12 : vector<1x4096xf32> to vector<1x1x4096xf32>
    %reduce_sum3A_14 = arith.constant dense<0.000000e+00> : vector<1xf32>
    %reduce_sum3A_15 = vector.multi_reduction <add>, %reduce_sum3A_13, %reduce_sum3A_14 [1, 2] : vector<1x1x4096xf32> to vector<1xf32>
    %reduce_sum3A_16 = vector.shape_cast %reduce_sum3A_15 : vector<1xf32> to vector<1x1x1xf32>
    %reduce_sum3A_17 = vector.extract %reduce_sum3A_16[0, 0, 0] : f32 from vector<1x1x1xf32>
    %sqrt3A_18 = math.sqrt %reduce_sum3A_17 : f32
    %max3A_19 = arith.constant 9.99999996E-13 : f32
    %max3A_20 = arith.maximumf %sqrt3A_18, %max3A_19 : f32
    %div3A_21 = arith.constant 1.000000e+00 : f32
    %div3A_22 = arith.divf %div3A_21, %max3A_20 : f32
    %mul3A_23 = vector.broadcast %div3A_22 : f32 to vector<1x4096xf32>
    %mul3A_24 = arith.mulf %get3A_11, %mul3A_23 : vector<1x4096xf32>
    %convert_element_type3A = arith.truncf %mul3A_8 : vector<512x4096xf32> to vector<512x4096xbf16>
    %convert_element_type3A_25 = arith.extf %convert_element_type3A : vector<512x4096xbf16> to vector<512x4096xf32>
    %convert_element_type3A_26 = arith.truncf %mul3A_24 : vector<1x4096xf32> to vector<1x4096xbf16>
    %convert_element_type3A_27 = arith.extf %convert_element_type3A_26 : vector<1x4096xbf16> to vector<1x4096xf32>
    %mul3A_28 = vector.broadcast %convert_element_type3A_27 : vector<1x4096xf32> to vector<512x4096xf32>
    %mul3A_29 = arith.mulf %convert_element_type3A_25, %mul3A_28 : vector<512x4096xf32>
    %reduce_sum3A_30 = arith.constant dense<0.000000e+00> : vector<512xf32>
    %reduce_sum3A_31 = vector.multi_reduction <add>, %mul3A_29, %reduce_sum3A_30 [1] : vector<512x4096xf32> to vector<512xf32>
    %swap3A = arith.index_cast %arg0 : i32 to index
    %swap3A_32 = arith.constant 0 : index
    %swap3A_33 = vector.load %arg5[%swap3A, %swap3A_32] : memref<16x512xf32, #tpu.memory_space<vmem>>, vector<1x512xf32>
    %swap3A_34 = vector.shape_cast %swap3A_33 : vector<1x512xf32> to vector<512xf32>
    %swap3A_35 = vector.shape_cast %reduce_sum3A_31 : vector<512xf32> to vector<1x512xf32>
    tpu.vector_store %arg5[%swap3A, %swap3A_32], %swap3A_35 {strides = array<i32>} : memref<16x512xf32, #tpu.memory_space<vmem>>, vector<1x512xf32>,
    %eq3A = arith.constant 15 : i32
    %eq3A_36 = arith.cmpi eq, %arg0, %eq3A : i32
    %convert_element_type3A_37 = arith.extui %eq3A_36 : i1 to i32
    %cond3A = arith.constant 0 : i32
    %cond3A_38 = arith.cmpi ne, %convert_element_type3A_37, %cond3A : i32
    scf.if %cond3A_38 {
      %get3A_39 = arith.constant 0 : index
      %get3A_40 = arith.constant 0 : index
      %get3A_41 = vector.load %arg5[%get3A_39, %get3A_40] : memref<16x512xf32, #tpu.memory_space<vmem>>, vector<16x512xf32>
      %iota3A = tpu.iota {dimensions = array<i32: 0>} : vector<16x512xi32>
      %mul3A_42 = arith.constant 512 : i32
      %mul3A_43 = vector.broadcast %mul3A_42 : i32 to vector<16x512xi32>
      %mul3A_44 = arith.muli %iota3A, %mul3A_43 : vector<16x512xi32>
      %iota3A_45 = tpu.iota {dimensions = array<i32: 1>} : vector<16x512xi32>
      %add3A = arith.addi %mul3A_44, %iota3A_45 : vector<16x512xi32>
      %broadcast_in_dim3A_46 = arith.constant 0.000000e+00 : f32
      %broadcast_in_dim3A_47 = vector.broadcast %broadcast_in_dim3A_46 : f32 to vector<1x16xf32>
      %broadcast_in_dim3A_48 = arith.constant 0 : i32
      %broadcast_in_dim3A_49 = vector.broadcast %broadcast_in_dim3A_48 : i32 to vector<1x16xi32>
      %scan3A = arith.constant 0 : i32
      %scan3A_50 = arith.constant 16 : i32
      %scan3A_51 = arith.addi %scan3A, %scan3A_50 : i32
      %scan3A_52 = arith.constant 1 : i32
      %scan3A_53:3 = scf.for %scan3A_76 = %scan3A to %scan3A_51 step %scan3A_52 iter_args(%scan3A_77 = %get3A_41, %scan3A_78 = %broadcast_in_dim3A_47, %scan3A_79 = %broadcast_in_dim3A_49) -> (vector<16x512xf32>, vector<1x16xf32>, vector<1x16xi32>)  : i32 {
        %reduce_max3A_80 = vector.shape_cast %scan3A_77 : vector<16x512xf32> to vector<1x16x512xf32>
        %reduce_max3A_81 = arith.constant dense<0xFF800000> : vector<1xf32>
        %reduce_max3A_82 = vector.multi_reduction <maximumf>, %reduce_max3A_80, %reduce_max3A_81 [1, 2] : vector<1x16x512xf32> to vector<1xf32>
        %reduce_max3A_83 = vector.shape_cast %reduce_max3A_82 : vector<1xf32> to vector<1x1x1xf32>
        %reduce_max3A_84 = vector.extract %reduce_max3A_83[0, 0, 0] : f32 from vector<1x1x1xf32>
        %eq3A_85 = vector.broadcast %reduce_max3A_84 : f32 to vector<16x512xf32>
        %eq3A_86 = arith.cmpf oeq, %scan3A_77, %eq3A_85 : vector<16x512xf32>
        %jit3A = arith.constant 1073741824 : i32
        %broadcast_in_dim3A_87 = vector.broadcast %jit3A : i32 to vector<16x512xi32>
        %select_n3A = arith.select %eq3A_86, %add3A, %broadcast_in_dim3A_87 : vector<16x512xi1>, vector<16x512xi32>
        %reduce_min3A = vector.shape_cast %select_n3A : vector<16x512xi32> to vector<1x16x512xi32>
        %reduce_min3A_88 = arith.constant dense<2147483647> : vector<1xi32>
        %reduce_min3A_89 = vector.multi_reduction <minsi>, %reduce_min3A, %reduce_min3A_88 [1, 2] : vector<1x16x512xi32> to vector<1xi32>
        %reduce_min3A_90 = vector.shape_cast %reduce_min3A_89 : vector<1xi32> to vector<1x1x1xi32>
        %reduce_min3A_91 = vector.extract %reduce_min3A_90[0, 0, 0] : i32 from vector<1x1x1xi32>
        %iota3A_92 = tpu.iota {dimensions = array<i32: 1>} : vector<1x16xi32>
        %eq3A_93 = vector.broadcast %scan3A_76 : i32 to vector<1x16xi32>
        %eq3A_94 = arith.cmpi eq, %iota3A_92, %eq3A_93 : vector<1x16xi32>
        %broadcast_in_dim3A_95 = vector.broadcast %reduce_max3A_84 : f32 to vector<1x16xf32>
        %select_n3A_96 = arith.select %eq3A_94, %broadcast_in_dim3A_95, %scan3A_78 : vector<1x16xi1>, vector<1x16xf32>
        %eq3A_97 = vector.broadcast %scan3A_76 : i32 to vector<1x16xi32>
        %eq3A_98 = arith.cmpi eq, %iota3A_92, %eq3A_97 : vector<1x16xi32>
        %broadcast_in_dim3A_99 = vector.broadcast %reduce_min3A_91 : i32 to vector<1x16xi32>
        %select_n3A_100 = arith.select %eq3A_98, %broadcast_in_dim3A_99, %scan3A_79 : vector<1x16xi1>, vector<1x16xi32>
        %eq3A_101 = vector.broadcast %reduce_min3A_91 : i32 to vector<16x512xi32>
        %eq3A_102 = arith.cmpi eq, %add3A, %eq3A_101 : vector<16x512xi32>
        %jit3A_103 = arith.constant 0xFF800000 : f32
        %broadcast_in_dim3A_104 = vector.broadcast %jit3A_103 : f32 to vector<16x512xf32>
        %select_n3A_105 = arith.select %eq3A_102, %broadcast_in_dim3A_104, %scan3A_77 : vector<16x512xi1>, vector<16x512xf32>
        scf.yield %select_n3A_105, %select_n3A_96, %select_n3A_100 : vector<16x512xf32>, vector<1x16xf32>, vector<1x16xi32>
      }
      %scan3A_54 = arith.constant 16 : i32
      %mul3A_55 = arith.constant 1.000000e+01 : f32
      %mul3A_56 = vector.broadcast %mul3A_55 : f32 to vector<1x16xf32>
      %mul3A_57 = arith.mulf %scan3A_53#1, %mul3A_56 : vector<1x16xf32>
      %reduce_max3A = vector.shape_cast %mul3A_57 : vector<1x16xf32> to vector<1x1x16xf32>
      %reduce_max3A_58 = arith.constant dense<0xFF800000> : vector<1xf32>
      %reduce_max3A_59 = vector.multi_reduction <maximumf>, %reduce_max3A, %reduce_max3A_58 [1, 2] : vector<1x1x16xf32> to vector<1xf32>
      %reduce_max3A_60 = vector.shape_cast %reduce_max3A_59 : vector<1xf32> to vector<1x1x1xf32>
      %reduce_max3A_61 = vector.extract %reduce_max3A_60[0, 0, 0] : f32 from vector<1x1x1xf32>
      %sub3A = vector.broadcast %reduce_max3A_61 : f32 to vector<1x16xf32>
      %sub3A_62 = arith.subf %mul3A_57, %sub3A : vector<1x16xf32>
      %exp3A = math.exp %sub3A_62 : vector<1x16xf32>
      %reduce_sum3A_63 = vector.shape_cast %exp3A : vector<1x16xf32> to vector<1x1x16xf32>
      %reduce_sum3A_64 = arith.constant dense<0.000000e+00> : vector<1xf32>
      %reduce_sum3A_65 = vector.multi_reduction <add>, %reduce_sum3A_63, %reduce_sum3A_64 [1, 2] : vector<1x1x16xf32> to vector<1xf32>
      %reduce_sum3A_66 = vector.shape_cast %reduce_sum3A_65 : vector<1xf32> to vector<1x1x1xf32>
      %reduce_sum3A_67 = vector.extract %reduce_sum3A_66[0, 0, 0] : f32 from vector<1x1x1xf32>
      %div3A_68 = vector.broadcast %reduce_sum3A_67 : f32 to vector<1x16xf32>
      %div3A_69 = arith.divf %exp3A, %div3A_68 : vector<1x16xf32>
      %swap3A_70 = arith.constant 0 : index
      %swap3A_71 = arith.constant 0 : index
      %swap3A_72 = vector.load %arg3[%swap3A_70, %swap3A_71] : memref<1x16xf32, #tpu.memory_space<vmem>>, vector<1x16xf32>
      tpu.vector_store %arg3[%swap3A_70, %swap3A_71], %div3A_69 {strides = array<i32>} : memref<1x16xf32, #tpu.memory_space<vmem>>, vector<1x16xf32>,
      %swap3A_73 = arith.constant 0 : index
      %swap3A_74 = arith.constant 0 : index
      %swap3A_75 = vector.load %arg4[%swap3A_73, %swap3A_74] : memref<1x16xi32, #tpu.memory_space<vmem>>, vector<1x16xi32>
      tpu.vector_store %arg4[%swap3A_73, %swap3A_74], %scan3A_53#2 {strides = array<i32>} : memref<1x16xi32, #tpu.memory_space<vmem>>, vector<1x16xi32>,
    } else {
    }
    return
  }
  func.func @transform_0(%arg0: i32) -> (i32, i32) {
    %c0_i32 = arith.constant 0 : i32
    %c0_i32_0 = arith.constant 0 : i32
    %c0_i32_1 = arith.constant 0 : i32
    return %c0_i32, %c0_i32_0 : i32, i32
  }
  func.func @transform_1(%arg0: i32) -> (i32, i32) {
    %c0_i32 = arith.constant 0 : i32
    %c0_i32_0 = arith.constant 0 : i32
    return %arg0, %c0_i32 : i32, i32
  }
  func.func @transform_2(%arg0: i32) -> (i32, i32) {
    %c0_i32 = arith.constant 0 : i32
    %c0_i32_0 = arith.constant 0 : i32
    %c0_i32_1 = arith.constant 0 : i32
    return %c0_i32, %c0_i32_0 : i32, i32
  }
  func.func @transform_3(%arg0: i32) -> (i32, i32) {
    %c0_i32 = arith.constant 0 : i32
    %c0_i32_0 = arith.constant 0 : i32
    %c0_i32_1 = arith.constant 0 : i32
    return %c0_i32, %c0_i32_0 : i32, i32
  }
}

</mosaic_0001>

<sc_bundles>
// kernel: kernel.4.cloned.1.call-start
scs
__scs_entry_jumppad:
0x0: {  	(pc) =	sbr.rel $0x88, $3  }
0x1: {  	(tag) =	ssettag $0x0;
	lr =	simm.s32 $0x1  }
0x2: {  	[smem:$0x3F9F] =	sst lr;
	_ =	strace $0xD0000000  }
0x3: {  	_ = 	snop  }
0x4: {  	_ = 	snop  }
0x5: {  	_ = 	snop  }
0x6: {  	_ = 	snop  }
0x7: {  	_ = 	snop  }
__scs_overlays_trampoline_lowered:
0x8: {  	[smem:$0x3FAE] =	sst s0  }
0x9: {  	[smem:$0x3FAF] =	sst s1  }
0xa: {  	[smem:$0x3FB0] =	sst s2  }
0xb: {  	[smem:$0x3FB1] =	sst s3  }
0xc: {  	[smem:$0x3FB2] =	sst s4  }
0xd: {  	[smem:$0x3FB3] =	sst s5  }
0xe: {  	[smem:$0x3FB4] =	sst s6  }
0xf: {  	[smem:$0x3FB5] =	sst s7  }
0x10: {  	[smem:$0x3FB6] =	sst s8  }
0x11: {  	[smem:$0x3FB7] =	sst s9;
	s0 =	simm.s32 @!p0 $0x0  }
0x12: {  	s1 =	sld [smem:$0x3F9D];
	s0 =	simm.s32 @p0 $0x1  }
0x13: {  	[smem:$0x3FB8] =	sst s0;
	s0 =	simm.s32 @!p1 $0x0  }
0x14: {  	s2 =	sld [smem:$0x3F9C];
	s0 =	simm.s32 @p1 $0x1  }
0x15: {  	[smem:$0x3FB9] =	sst s0;
	s0 =	simm.s32 @!p2 $0x0  }
0x16: {  	s3 =	sld [smem:$0x3FDB];
	s0 =	simm.s32 @p2 $0x1  }
0x17: {  	s4 =	simm.s32 $0x1BF5;
	[smem:$0x3FBB] =	sst s0  }
0x18: {  	s0 =	sld [smem:$0x3F9E];
	_ =	swait.ge [sflag:s4], $0x0  }
0x19: {  	s7 =	sld [smem:$0x3F9F]  }
0x1a: {  	s8 =	sadd.s32 $0xFFFFE003, lr  }
0x1b: {  	s9 =	sadd.s32 $0xFFFFFEF7, lr;
	s5 =	simm.s32 $0xFFFFFFFF;
	p2 =	slt.u32 s8, $0xFFFFF086  }
0x1c: {  	p1 =	slt.u32 s9, $0xF7A;
	s5 =	simm.s32 @!p2 $0x0  }
0x1d: {  	s5 =	simm.s32 @p1 $0x1;
	p0 =	seq.s32 s7, s2  }
0x1e: {  	s7 =	smul.u32 @!p0 $0xF7A, s2;
	p2 =	seq.s32 @!p0 s5, $0x0  }
0x1f: {  	s9 =	smul.u32 $0xF7A, s1;
	s8 =	simm.s32 @!p0 $0x1BF5;
	p2 =	por !p2, p0  }
0x20: {  	[sflag:s8] =	ssyncset.s32 @!p0 $0xFFFFF086;
	s6 =	sadd.s32 @!p0 s3, s7;
	s7 =	simm.s32 @!p0 $0x108  }
0x21: {  	s3 =	sadd.s32 s3, s9;
	s6 =	sadd.s32 @!p0 $0x88, s6;
	s7 =	simm.s32 @p2 $0x1082  }
0x22: {  	[simem:s7], [sflag:s8] =	dma.local @!p0 [hbm:s6], $0xF7A  }
0x23: {  	s9 =	sor.u32 $0xD0000000, s2;
	s6 =	simm.s32 $0x108;
	_ =	swait.ge @!p0 [sflag:s8], $0x0  }
0x24: {  	s3 =	sadd.s32 $0x88, s3;
	s6 =	simm.s32 @!p1 $0x1082;
	[sflag:s4] =	ssyncset.s32 $0xFFFFF086  }
0x25: {  	[simem:s6], [sflag:s4] =	dma.local [hbm:s3], $0xF7A  }
0x26: {  	[smem:$0x3F9F] =	sst s1;
	(tag) =	ssettag s2;
	_ =	strace s9  }
0x27: {  	s1 =	sld [smem:$0x3FAF]  }
0x28: {  	s2 =	sld [smem:$0x3FB0]  }
0x29: {  	s4 =	sld [smem:$0x3FB2]  }
0x2a: {  	p0 =	seq.s32 s5, $0x0;
	s5 =	sld [smem:$0x3FB3]  }
0x2b: {  	s6 =	sld [smem:$0x3FB4]  }
0x2c: {  	s7 =	sld [smem:$0x3FB5]  }
0x2d: {  	s3 =	simm.s32 $0x108;
	s8 =	sld [smem:$0x3FB6]  }
0x2e: {  	s3 =	simm.s32 @!p0 $0x1082;
	s9 =	sld [smem:$0x3FB7]  }
0x2f: {  	lr =	sadd.s32 s0, s3;
	s0 =	sld [smem:$0x3FAE]  }
0x30: {  	s3 =	sld [smem:$0x3FB1]  }
0x31: {  	[smem:$0x3FBA] =	sst s10  }
0x32: {  	s10 =	sld [smem:$0x3FB8];
	_ =	sdelay $0x3  }
0x33: {  	p0 =	seq.s32 s10, $0x1;
	s10 =	sld [smem:$0x3FBA];
	_ =	sdelay $0x3  }
0x34: {  	[smem:$0x3FBA] =	sst s10  }
0x35: {  	s10 =	sld [smem:$0x3FB9];
	_ =	sdelay $0x3  }
0x36: {  	p1 =	seq.s32 s10, $0x1;
	s10 =	sld [smem:$0x3FBA];
	_ =	sdelay $0x3  }
0x37: {  	[smem:$0x3FBA] =	sst s10  }
0x38: {  	s10 =	sld [smem:$0x3FBB]  }
0x39: {  	_ = 	snop;
	(pc) =	sbr.ind lr, $3  }
0x3a: {  	_ = 	snop  }
0x3b: {  	_ = 	snop  }
0x3c: {  	p2 =	seq.s32 s10, $0x1;
	s10 =	sld [smem:$0x3FBA]  }
0x3d: {  	_ =	shalt  }
0x3e: {  	_ =	shalt  }
0x3f: {  	_ =	shalt  }
0x40: {  	_ =	shalt  }
0x41: {  	_ =	shalt  }
0x42: {  	_ =	shalt  }
0x43: {  	_ =	shalt  }
0x44: {  	_ =	shalt  }
0x45: {  	_ =	shalt  }
0x46: {  	_ =	shalt  }
0x47: {  	_ =	shalt  }
0x48: {  	_ =	shalt  }
0x49: {  	_ =	shalt  }
0x4a: {  	_ =	shalt  }
0x4b: {  	_ =	shalt  }
0x4c: {  	_ =	shalt  }
0x4d: {  	_ =	shalt  }
0x4e: {  	_ =	shalt  }
0x4f: {  	_ =	shalt  }
0x50: {  	_ =	shalt  }
0x51: {  	_ =	shalt  }
0x52: {  	_ =	shalt  }
0x53: {  	_ =	shalt  }
0x54: {  	_ =	shalt  }
0x55: {  	_ =	shalt  }
0x56: {  	_ =	shalt  }
0x57: {  	_ =	shalt  }
0x58: {  	_ =	shalt  }
0x59: {  	_ =	shalt  }
0x5a: {  	_ =	shalt  }
0x5b: {  	_ =	shalt  }
0x5c: {  	_ =	shalt  }
0x5d: {  	_ =	shalt  }
0x5e: {  	_ =	shalt  }
0x5f: {  	_ =	shalt  }
0x60: {  	_ =	shalt  }
0x61: {  	_ =	shalt  }
0x62: {  	_ =	shalt  }
0x63: {  	_ =	shalt  }
0x64: {  	_ =	shalt  }
0x65: {  	_ =	shalt  }
0x66: {  	_ =	shalt  }
0x67: {  	_ =	shalt  }
0x68: {  	_ =	shalt  }
0x69: {  	_ =	shalt  }
0x6a: {  	_ =	shalt  }
0x6b: {  	_ =	shalt  }
0x6c: {  	_ =	shalt  }
0x6d: {  	_ =	shalt  }
0x6e: {  	_ =	shalt  }
0x6f: {  	_ =	shalt  }
0x70: {  	_ =	shalt  }
0x71: {  	_ =	shalt  }
0x72: {  	_ =	shalt  }
0x73: {  	_ =	shalt  }
0x74: {  	_ =	shalt  }
0x75: {  	_ =	shalt  }
0x76: {  	_ =	shalt  }
0x77: {  	_ =	shalt  }
0x78: {  	_ =	shalt  }
0x79: {  	_ =	shalt  }
0x7a: {  	_ =	shalt  }
0x7b: {  	_ =	shalt  }
0x7c: {  	_ =	shalt  }
0x7d: {  	_ =	shalt  }
0x7e: {  	_ =	shalt  }
0x7f: {  	_ =	shalt  }
0x80: {  	_ =	shalt  }
0x81: {  	_ =	shalt  }
0x82: {  	_ =	shalt  }
0x83: {  	_ =	shalt  }
0x84: {  	_ =	shalt  }
0x85: {  	_ =	shalt  }
0x86: {  	_ =	shalt  }
0x87: {  	_ =	shalt  }
.Lfunc_end0:
.L_simem_size_0:
called_computation_lowered:
.L_overlay_start_0:
0x88: {  	s2 =	sld [smem:$0x3FD9]  }
0x89: {  	s3 =	sld [smem:$0x3FFE];
	_ =	sdelay $0x1  }
0x8a: {  	s1 =	srdreg.scid  }
0x8b: {  	s0 =	sand.u32 $0x1, s1  }
0x8c: {  	s17 =	sshll.u32 s0, $0xA;
	s2 =	sadd.s32 s3, s2  }
0x8d: {  	s2 =	sadd.s32 s2, s17  }
0x8e: {  	[smem:$0x3FC6] =	sst s2  }
0x8f: {  	_ = 	snop  }
0x90: {  	s2 =	sld [smem:$0x3FD0];
	(tm) =	ssettm $0x1  }
0x91: {  	s18 =	sld [smem:$0x3FFB];
	_ =	sdelay $0x3  }
0x92: {  	_ =	strace s18  }
0x93: {  	s3 =	sld [smem:$0x3FFC];
	_ =	sdelay $0x3  }
0x94: {  	_ =	strace s3  }
0x95: {  	s3 =	sld [smem:$0x3FFD];
	_ =	sdelay $0x3  }
0x96: {  	_ =	strace s3  }
0x97: {  	_ =	strace $0x8FFFFFFF  }
0x98: {  	s19 =	sld [smem:$0x3FDB];
	_ =	sdelay $0x1  }
0x99: {  	s4 =	simm.s32 $_scs_section_size  }
0x9a: {  	s5 =	simm.s32 $_size__tile_overlayer_lowered;
	s6 =	simm.s32 $_tile_overlayer_lowered  }
0x9b: {  	s22 =	simm.s32 $0x1BFF;
	s21 =	sshll.u32 s6, $0x1;
	s3 =	sadd.s32 s4, s19  }
0x9c: {  	s7 =	simm.s32 $0x0;
	s20 =	sshll.u32 s5, $0x1;
	s5 =	sadd.s32 s21, s3  }
0x9d: {  	[timem:s7], [sflag:s22] =	dma.local [hbm:s5], s20  }
0x9e: {  	_ =	swait.ge [sflag:s22], s20  }
0x9f: {  	s4 =	ssub.s32 $0x0, s20;
	[sflag:s22] =	ssyncset.done $0x0  }
0xa0: {  	[sflag:s22] =	ssyncadd.s32 s4;
	_ =	sdelay $0x1  }
0xa1: {  	s23 =	simm.s32 $0x1B8B  }
0xa2: {  	_ =	swait.ge [sflag:s23], $0x1  }
0xa3: {  	[sflag:s23] =	ssyncset.done $0x0  }
0xa4: {  	s25 =	simm.s32 $0x1B8E;
	s24 =	sld [smem:$0x3FFE];
	[sflag:s23] =	ssyncadd.s32 $0xFFFFFFFF  }
0xa5: {  	s26 =	simm.s32 $execute0_lowered;
	[smem:$0x3FD2] =	sst s25  }
0xa6: {  	s5 =	sshll.u32 s26, $0x1;
	_ =	strace $0x80000046;
	[dreg:$0x1] =	wrdreg $0xFFFFFFFF  }
0xa7: {  	s28 =	simm.s32 $_size_execute0_lowered;
	s3 =	sadd.s32 s3, s5;
	[dreg:$0x0] =	wrdreg $0x0  }
0xa8: {  	s5 =	sshll.u32 s28, $0x1;
	[dreg:$0x2] =	wrdreg s3  }
0xa9: {  	[dreg:$0x3] =	wrdreg s5  }
0xaa: {  	[dreg:$0x4] =	wrdreg $0xC0  }
0xab: {  	_ =	task [dreg:s7], $0x5FFFF  }
0xac: {  	[dreg:$0x1] =	wrdreg $0xFFFFFFFF  }
0xad: {  	[dreg:$0x0] =	wrdreg $0x60  }
0xae: {  	[dreg:$0x2] =	wrdreg s24  }
0xaf: {  	[dreg:$0x3] =	wrdreg s2  }
0xb0: {  	[dreg:$0x4] =	wrdreg $0x9  }
0xb1: {  	_ =	task.clear_ibuf [dreg:s7], $0x5FFFF;
	_ =	strace $0x90000046  }
0xb2: {  	s29 =	simm.s32 $0x9;
	_ =	strace $0x80000048  }
0xb3: {  	_ =	swait.ge [sflag:s29], $0x1  }
0xb4: {  	[sflag:s29] =	ssyncadd.s32 $0xFFFFFFFF  }
0xb5: {  	_ =	strace $0x90000048  }
0xb6: {  	_ =	sfence  }
0xb7: {  	s30 =	sld [smem:$0x0];
	_ =	sdelay $0x2  }
0xb8: {  	s31 =	sshll.u32 s1, $0xD;
	s1 =	sshrl.u32 s1, $0x2  }
0xb9: {  	s3 =	sand.u32 $0x4000, s31;
	s1 =	sadd.s32 s1, s30  }
0xba: {  	s0 =	sor.u32 s3, s0;
	s1 =	sshll.u32 s1, $0x11  }
0xbb: {  	s0 =	sor.u32 s1, s0  }
0xbc: {  	s0 =	sadd.s32 $0x8F2B, s0  }
0xbd: {  	[sflag:s0] =	ssyncadd.remote.s32 $0x1  }
0xbe: {  	_ =	sfence.sel $0xFFFF  }
0xbf: {  	[dreg:$0x0] =	wrdreg $0xFFFFFFFF;
	(pc) =	sbr.abs _section_cstart, $3  }
0xc0: {  	[dreg:$0x1] =	wrdreg $0xFFFFFFFF  }
0xc1: {  	_ =	task.clear_ibuf [dreg:s7], $0x2FFFF;
	_ =	strace $0x9FFFFFFF  }
0xc2: {  	(tm) =	ssettm $0x7FFFFFFF  }
0xc3: {  	_ =	shalt  }
tec
execute0_lowered:
.L_overlay_start_1:
0x0: {  	(tag) =	ssettag $0x1  }
0x1: {  	s0 =	srdreg.scid  }
0x2: {  	s1 =	stileid.u32;
	s4 =	sand.u32 $0x1, s0  }
0x3: {  	s5 =	sor.u32 s1, s4  }
0x4: {  	p0 =	sne.s32 s5, $0x0  }
.Ltmp0:
0x5: {  	_ = 	snop;
	(pc) =	sbr.rel @p0 .LBB2_11-.Ltmp0, $4  }
0x6: {  	s6 =	rddreg [dreg:$0x0]  }
0x7: {  	s2 =	rddreg [dreg:$0x1];
	s3 =	simm.s32 $0x0  }
0x8: {  	[smem:$0x7FF] =	sst s3  }
0x9: {  	s0 =	rddreg [dreg:$0x2];
	_ =	strace $0x80000047  }
0xa: {  	vm0 =	vmmov $0x1  }
0xb: {  	s7 =	ssub.s32 $0x2, s4;
	s4 =	sadd.s32 $0x1000C00, s6;
	vm1 =	vcmask $0x308;
	vm2 =	vcmask $0x70C;
	s5 =	sadd.s32 $0xC00, s6;
	vm3 =	vcmask $0xB10  }
0xc: {  	s6 =	sadd.s32 $0x1000E00, s6;
	vm4 =	vcmask $0xF14;
	vm5 =	vcmask $0x1318;
	s9 =	simm.s32 $0x80;
	s10 =	simm.s32 $0x100;
	vm6 =	vcmask $0x171C  }
0xd: {  	vm7 =	vcmask $0x1B20;
	vm8 =	vcmask $0x1F24;
	s11 =	simm.s32 $0x4100;
	s12 =	simm.s32 $0x8100;
	s13 =	simm.s32 $0xC100;
	vm9 =	vcmask $0x2328  }
0xe: {  	vm10 =	vcmask $0x272C;
	vm11 =	vcmask $0x2B30;
	s14 =	simm.s32 $0x1;
	vm12 =	vcmask $0x2F34;
	s15 =	simm.s32 $0x10100;
	s8 =	sshrl.u32 s7, $0x1  }
0xf: {  	vm13 =	vcmask $0x3338;
	vm14 =	vcmask $0x373C;
	s16 =	simm.s32 $0x0;
	vm15 =	vmmov $0x7fff;
	s7 =	ssub.s32 s7, s8;
	s8 =	simm.s32 $0x2  }
.LBB2_2:
0x10: {  	s17 =	simm.s32 $0x0  }
0x11: {  	[tilespmem:s17], [sflag:$0x2] =	stream.linear.gather [hbm4b:s2+s17], $0x80, $0x38;
	[tilespmem:$0x11100] =	vst v63  }
0x12: {  	_ =	swait.ge [sflag:s8], $0x80  }
0x13: {  	[sflag:s8] =	ssyncset.done $0x0  }
0x14: {  	[sflag:s8] =	ssyncadd.s32 $0xFFFFFF80  }
0x15: {  	[tilespmem:s9], [sflag:$0x2] =	stream.linear.gather [hbm4b:s4+s17], $0x80, $0x38;
	[tilespmem:$0x11100] =	vst v63  }
0x16: {  	_ =	swait.ge [sflag:s8], $0x80  }
0x17: {  	[sflag:s8] =	ssyncset.done $0x0  }
0x18: {  	[sflag:s8] =	ssyncadd.s32 $0xFFFFFF80  }
0x19: {  	v1 =	vld [tilespmem:$0x0];
	_ =	sdelay $0x4  }
0x1a: {  	v0 =	vsel vm1, $0x0, v1  }
0x1b: {  	(xrf0) =	vadd.scan.msk.s32 $0xffff, v0;
	v0 =	vsel vm2, $0x0, v1  }
0x1c: {  	(xrf0) =	vadd.scan.msk.s32 $0xffff, v0;
	v0 =	vsel vm3, $0x0, v1  }
0x1d: {  	(xrf0) =	vadd.scan.msk.s32 $0xffff, v0;
	v0 =	vnsel vm0, $0x0, v1  }
0x1e: {  	(xrf0) =	vadd.scan.msk.s32 $0xffff, v0;
	_ =	sdelay $0x2  }
0x1f: {  	v0, _, _ =	vpop (xrf0)  }
0x20: {  	v2, _, _ =	vpop (xrf0);
	(v2sf) =	vpush v0, $0xF  }
0x21: {  	v0, _, _ =	vpop (xrf0);
	(v2sf) =	vpush v2, $0xF  }
0x22: {  	(v2sf) =	vpush v0, $0xF;
	v0, _, _ =	vpop (xrf0)  }
0x23: {  	(v2sf) =	vpush v0, $0xF;
	_ =	sdelay $0x7  }
0x24: {  	v0 =	vld [tilespmem:$0x80];
	_ =	sdelay $0x3  }
0x25: {  	s18 =	spop (v2sf)  }
0x26: {  	v2 =	vnsel vm0, $0x0, v0;
	s19 =	spop (v2sf)  }
0x27: {  	(xrf2) =	vadd.scan.msk.f32 $0xffff, v2;
	v2 =	vsel vm1, $0x0, v0;
	s20 =	spop (v2sf)  }
0x28: {  	(xrf2) =	vadd.scan.msk.f32 $0xffff, v2;
	v2 =	vsel vm2, $0x0, v0;
	s21 =	spop (v2sf)  }
0x29: {  	(xrf2) =	vadd.scan.msk.f32 $0xffff, v2;
	v2 =	vsel vm3, $0x0, v0;
	s21 =	sshll.u32 s21, $0xB  }
0x2a: {  	(xrf2) =	vadd.scan.msk.f32 $0xffff, v2;
	s18 =	sshll.u32 s18, $0xB;
	s21 =	sand.u32 $0x1FFFF800, s21  }
0x2b: {  	s18 =	sand.u32 $0x1FFFF800, s18;
	s21 =	sadd.s32 s5, s21  }
0x2c: {  	[tilespmem:s10], [sflag:$0x1] =	stream.linear.gather [hbm4b:s21+s17], $0x4000, $0x38;
	[tilespmem:$0x11100] =	vst v63  }
0x2d: {  	s28 =	sshll.u32 s19, $0xB;
	s18 =	sadd.s32 s5, s18  }
0x2e: {  	[tilespmem:s11], [sflag:$0x1] =	stream.linear.gather [hbm4b:s18+s17], $0x4000, $0x38;
	[tilespmem:$0x11100] =	vst v63  }
0x2f: {  	s18 =	sand.u32 $0x1FFFF800, s28  }
0x30: {  	s29 =	sshll.u32 s20, $0xB;
	s18 =	sadd.s32 s5, s18  }
0x31: {  	v2, _, _ =	vpop (xrf2);
	[tilespmem:s12], [sflag:$0x1] =	stream.linear.gather [hbm4b:s18+s17], $0x4000, $0x38;
	[tilespmem:$0x11100] =	vst v63  }
0x32: {  	v3, _, _ =	vpop (xrf2);
	s18 =	sand.u32 $0x1FFFF800, s29  }
0x33: {  	v4, _, _ =	vpop (xrf2);
	s18 =	sadd.s32 s5, s18  }
0x34: {  	v6, _, _ =	vpop (xrf2);
	[tilespmem:s13], [sflag:$0x1] =	stream.linear.gather [hbm4b:s18+s17], $0x4000, $0x38;
	[tilespmem:$0x11100] =	vst v63  }
0x35: {  	_ =	swait.ge [sflag:s14], $0x4000  }
0x36: {  	[sflag:s14] =	ssyncset.done $0x0  }
0x37: {  	[sflag:s14] =	ssyncadd.s32 $0xFFFFC000  }
0x38: {  	_ =	swait.ge [sflag:s14], $0x4000  }
0x39: {  	[sflag:s14] =	ssyncset.done $0x0  }
0x3a: {  	[sflag:s14] =	ssyncadd.s32 $0xFFFFC000  }
0x3b: {  	_ =	swait.ge [sflag:s14], $0x4000  }
0x3c: {  	[sflag:s14] =	ssyncset.done $0x0  }
0x3d: {  	[sflag:s14] =	ssyncadd.s32 $0xFFFFC000  }
0x3e: {  	_ =	swait.ge [sflag:s14], $0x4000  }
0x3f: {  	s30 =	sand.u32 $0x10, s17;
	s17 =	sand.u32 $0x3F80, s17;
	[sflag:s14] =	ssyncset.done $0x0  }
0x40: {  	s17 =	sor.u32 s30, s17;
	[sflag:s14] =	ssyncadd.s32 $0xFFFFC000  }
0x41: {  	v7 =	vld [tilespmem:s17+$0x100];
	_ =	sdelay $0x1  }
0x42: {  	v8 =	vld [tilespmem:s17+$0x4100]  }
0x43: {  	v5 =	vbroadcast v2, $0xF  }
0x44: {  	v9 =	vld [tilespmem:s17+$0x8100]  }
0x45: {  	v3 =	vbroadcast v3, $0xF;
	v7 =	vmul.f32 v7, v5  }
0x46: {  	v10 =	vld [tilespmem:s17+$0xC100]  }
0x47: {  	v2 =	vbroadcast v4, $0xF;
	v8 =	vmul.f32 v8, v3;
	v7 =	vadd.f32 $0.0e+00, v7;
	_ =	sdelay $0x1  }
0x48: {  	v4 =	vbroadcast v6, $0xF;
	v6 =	vadd.f32 v8, v7;
	v7 =	vmul.f32 v9, v2;
	_ =	sdelay $0x1  }
0x49: {  	v6 =	vadd.f32 v7, v6;
	v7 =	vmul.f32 v10, v4  }
0x4a: {  	s31 =	simm.s32 $0x10  }
0x4b: {  	s19 =	sand.u32 $0x10, s31;
	s17 =	simm.s32 $0x40;
	v6 =	vadd.f32 v7, v6  }
0x4c: {  	s21 =	simm.s32 $0x0;
	s18 =	simm.s32 $0x20;
	s20 =	sand.u32 $0x3F80, s17  }
.LBB2_3:
0x4d: {  	p0 =	sne.s32 s18, $0xFF0;
	s19 =	sor.u32 s19, s20;
	[tilespmem:s21+$0x10100] =	vst v6;
	s21 =	smov.u32 s17  }
0x4e: {  	v6 =	vld [tilespmem:s19+$0x100];
	_ =	sdelay $0x1  }
0x4f: {  	v7 =	vld [tilespmem:s19+$0x4100];
	_ =	sdelay $0x1  }
0x50: {  	v8 =	vld [tilespmem:s19+$0x8100]  }
0x51: {  	v6 =	vmul.f32 v6, v5  }
0x52: {  	v9 =	vld [tilespmem:s19+$0xC100]  }
0x53: {  	v6 =	vadd.f32 $0.0e+00, v6;
	v7 =	vmul.f32 v7, v3;
	_ =	sdelay $0x1  }
0x54: {  	v6 =	vadd.f32 v7, v6;
	v7 =	vmul.f32 v8, v2  }
.Ltmp1:
0x55: {  	(pc) =	sbr.rel @p0 .LBB2_3-.Ltmp1, $3  }
0x56: {  	v6 =	vadd.f32 v7, v6;
	v7 =	vmul.f32 v9, v4;
	_ =	sdelay $0x1  }
0x57: {  	s17 =	sadd.s32 $0x40, s17;
	s19 =	sand.u32 $0x10, s18;
	v6 =	vadd.f32 v7, v6  }
0x58: {  	s20 =	sand.u32 $0x3F80, s17;
	s21 =	sshra.s32 s21, $0x2;
	s18 =	sadd.s32 $0x10, s18  }
0x59: {  	v7 =	vsel vm4, $0x0, v1  }
0x5a: {  	(xrf0) =	vadd.scan.msk.s32 $0xffff, v7  }
0x5b: {  	v7 =	vsel vm5, $0x0, v1  }
0x5c: {  	(xrf0) =	vadd.scan.msk.s32 $0xffff, v7;
	_ =	sdelay $0x2  }
0x5d: {  	v8 =	vsel vm6, $0x0, v1  }
0x5e: {  	v7, _, _ =	vpop (xrf0);
	(xrf0) =	vadd.scan.msk.s32 $0xffff, v8;
	_ =	sdelay $0x1  }
0x5f: {  	s18 =	sor.u32 s19, s20;
	[tilespmem:s21+$0x10100] =	vst v6;
	(v2sf) =	vpush v7, $0xF;
	v6, _, _ =	vpop (xrf0)  }
0x60: {  	v7 =	vld [tilespmem:s18+$0x100];
	(v2sf) =	vpush v6, $0xF;
	v6 =	vsel vm7, $0x0, v1  }
0x61: {  	(xrf0) =	vadd.scan.msk.s32 $0xffff, v6  }
0x62: {  	v6 =	vld [tilespmem:s18+$0x4100]  }
0x63: {  	v8, _, _ =	vpop (xrf0)  }
0x64: {  	v9 =	vld [tilespmem:s18+$0x8100];
	(v2sf) =	vpush v8, $0xF  }
0x65: {  	v5 =	vmul.f32 v7, v5  }
0x66: {  	v7 =	vld [tilespmem:s18+$0xC100]  }
0x67: {  	v5 =	vadd.f32 $0.0e+00, v5;
	v3 =	vmul.f32 v6, v3;
	v6, _, _ =	vpop (xrf0)  }
0x68: {  	(v2sf) =	vpush v6, $0xF  }
0x69: {  	v2 =	vmul.f32 v9, v2;
	v3 =	vadd.f32 v3, v5;
	_ =	sdelay $0x1  }
0x6a: {  	v2 =	vadd.f32 v2, v3;
	v3 =	vmul.f32 v7, v4;
	_ =	sdelay $0x1  }
0x6b: {  	v2 =	vadd.f32 v3, v2;
	v3 =	vsel vm4, $0x0, v0  }
0x6c: {  	s17 =	sshra.s32 s17, $0x2;
	(xrf2) =	vadd.scan.msk.f32 $0xffff, v3;
	v3 =	vsel vm5, $0x0, v0;
	s20 =	spop (v2sf)  }
0x6d: {  	[tilespmem:s17+$0x10100] =	vst v2;
	(xrf2) =	vadd.scan.msk.f32 $0xffff, v3;
	v2 =	vsel vm6, $0x0, v0;
	s18 =	sshll.u32 s20, $0xB;
	s21 =	spop (v2sf)  }
0x6e: {  	(xrf2) =	vadd.scan.msk.f32 $0xffff, v2;
	v2 =	vsel vm7, $0x0, v0;
	s18 =	sand.u32 $0x1FFFF800, s18;
	s24 =	sshll.u32 s21, $0xB  }
0x6f: {  	s23 =	simm.s32 $0x0;
	(xrf2) =	vadd.scan.msk.f32 $0xffff, v2;
	s22 =	sadd.s32 s5, s18;
	s17 =	sand.u32 $0x1FFFF800, s24  }
0x70: {  	[tilespmem:s10], [sflag:$0x1] =	stream.linear.gather [hbm4b:s22+s23], $0x4000, $0x38;
	[tilespmem:$0x11100] =	vst v63  }
0x71: {  	s17 =	sadd.s32 s5, s17;
	s25 =	spop (v2sf)  }
0x72: {  	[tilespmem:s11], [sflag:$0x1] =	stream.linear.gather [hbm4b:s17+s23], $0x4000, $0x38;
	[tilespmem:$0x11100] =	vst v63  }
0x73: {  	s26 =	sshll.u32 s25, $0xB  }
0x74: {  	s17 =	sand.u32 $0x1FFFF800, s26  }
0x75: {  	s28 =	spop (v2sf);
	s17 =	sadd.s32 s5, s17  }
0x76: {  	[tilespmem:s12], [sflag:$0x1] =	stream.linear.gather [hbm4b:s17+s23], $0x4000, $0x38;
	[tilespmem:$0x11100] =	vst v63  }
0x77: {  	v2, _, _ =	vpop (xrf2);
	s29 =	sshll.u32 s28, $0xB  }
0x78: {  	v3, _, _ =	vpop (xrf2);
	s17 =	sand.u32 $0x1FFFF800, s29  }
0x79: {  	v4, _, _ =	vpop (xrf2);
	s17 =	sadd.s32 s5, s17  }
0x7a: {  	v6, _, _ =	vpop (xrf2);
	[tilespmem:s13], [sflag:$0x1] =	stream.linear.gather [hbm4b:s17+s23], $0x4000, $0x38;
	[tilespmem:$0x11100] =	vst v63  }
0x7b: {  	_ =	swait.ge [sflag:s14], $0x4000  }
0x7c: {  	[sflag:s14] =	ssyncset.done $0x0  }
0x7d: {  	[sflag:s14] =	ssyncadd.s32 $0xFFFFC000  }
0x7e: {  	_ =	swait.ge [sflag:s14], $0x4000  }
0x7f: {  	[sflag:s14] =	ssyncset.done $0x0  }
0x80: {  	[sflag:s14] =	ssyncadd.s32 $0xFFFFC000  }
0x81: {  	_ =	swait.ge [sflag:s14], $0x4000  }
0x82: {  	[sflag:s14] =	ssyncset.done $0x0  }
0x83: {  	[sflag:s14] =	ssyncadd.s32 $0xFFFFC000  }
0x84: {  	_ =	swait.ge [sflag:s14], $0x4000  }
0x85: {  	s30 =	sand.u32 $0x10, s23;
	s18 =	sand.u32 $0x3F80, s23;
	[sflag:s14] =	ssyncset.done $0x0  }
0x86: {  	s18 =	sor.u32 s30, s18;
	[sflag:s14] =	ssyncadd.s32 $0xFFFFC000  }
0x87: {  	s17 =	simm.s32 $0x0;
	v7 =	vld [tilespmem:s18+$0x100]  }
0x88: {  	v8 =	vld [tilespmem:s17+$0x10100]  }
0x89: {  	v63 =	vld [tilespmem:s18+$0x4100]  }
0x8a: {  	v5 =	vbroadcast v2, $0xF  }
0x8b: {  	v10 =	vld [tilespmem:s18+$0x8100]  }
0x8c: {  	v3 =	vbroadcast v3, $0xF;
	v7 =	vmul.f32 v7, v5  }
0x8d: {  	v11 =	vld [tilespmem:s18+$0xC100]  }
0x8e: {  	v2 =	vbroadcast v4, $0xF;
	v7 =	vadd.f32 v7, v8;
	v8 =	vmul.f32 v63, v3;
	_ =	sdelay $0x1  }
0x8f: {  	v4 =	vbroadcast v6, $0xF;
	v6 =	vadd.f32 v8, v7;
	v7 =	vmul.f32 v10, v2;
	_ =	sdelay $0x1  }
0x90: {  	v6 =	vadd.f32 v7, v6;
	v7 =	vmul.f32 v11, v4;
	_ =	sdelay $0x1  }
0x91: {  	s31 =	simm.s32 $0x10;
	s18 =	simm.s32 $0x40;
	v6 =	vadd.f32 v7, v6  }
0x92: {  	s19 =	simm.s32 $0x20;
	s20 =	sand.u32 $0x10, s31;
	s21 =	sand.u32 $0x3F80, s18  }
.LBB2_5:
0x93: {  	p0 =	sne.s32 s19, $0xFF0;
	s20 =	sor.u32 s20, s21;
	[tilespmem:s17+$0x10100] =	vst v6  }
0x94: {  	s17 =	sshra.s32 s18, $0x2;
	v6 =	vld [tilespmem:s20+$0x100]  }
0x95: {  	v7 =	vld [tilespmem:s17+$0x10100]  }
0x96: {  	v8 =	vld [tilespmem:s20+$0x4100];
	_ =	sdelay $0x1  }
0x97: {  	v9 =	vld [tilespmem:s20+$0x8100]  }
0x98: {  	v6 =	vmul.f32 v6, v5  }
0x99: {  	v10 =	vld [tilespmem:s20+$0xC100]  }
0x9a: {  	v6 =	vadd.f32 v6, v7;
	v7 =	vmul.f32 v8, v3;
	_ =	sdelay $0x1  }
0x9b: {  	v6 =	vadd.f32 v7, v6;
	v7 =	vmul.f32 v9, v2  }
.Ltmp2:
0x9c: {  	(pc) =	sbr.rel @p0 .LBB2_5-.Ltmp2, $3  }
0x9d: {  	v6 =	vadd.f32 v7, v6;
	v7 =	vmul.f32 v10, v4;
	_ =	sdelay $0x1  }
0x9e: {  	s18 =	sadd.s32 $0x40, s18;
	v6 =	vadd.f32 v7, v6  }
0x9f: {  	s21 =	sand.u32 $0x3F80, s18;
	s20 =	sand.u32 $0x10, s19;
	s19 =	sadd.s32 $0x10, s19  }
0xa0: {  	v7 =	vsel vm8, $0x0, v1  }
0xa1: {  	(xrf0) =	vadd.scan.msk.s32 $0xffff, v7  }
0xa2: {  	v7 =	vsel vm9, $0x0, v1  }
0xa3: {  	(xrf0) =	vadd.scan.msk.s32 $0xffff, v7;
	_ =	sdelay $0x2  }
0xa4: {  	v8 =	vsel vm10, $0x0, v1  }
0xa5: {  	v7, _, _ =	vpop (xrf0);
	(xrf0) =	vadd.scan.msk.s32 $0xffff, v8;
	_ =	sdelay $0x1  }
0xa6: {  	s19 =	sor.u32 s20, s21;
	[tilespmem:s17+$0x10100] =	vst v6;
	(v2sf) =	vpush v7, $0xF;
	v6, _, _ =	vpop (xrf0)  }
0xa7: {  	s31 =	sshra.s32 s18, $0x2;
	v7 =	vld [tilespmem:s19+$0x100];
	(v2sf) =	vpush v6, $0xF;
	v6 =	vsel vm11, $0x0, v1  }
0xa8: {  	v8 =	vld [tilespmem:s31+$0x10100];
	(xrf0) =	vadd.scan.msk.s32 $0xffff, v6  }
0xa9: {  	v6 =	vld [tilespmem:s19+$0x4100]  }
0xaa: {  	v9, _, _ =	vpop (xrf0)  }
0xab: {  	v10 =	vld [tilespmem:s19+$0x8100];
	(v2sf) =	vpush v9, $0xF  }
0xac: {  	v5 =	vmul.f32 v7, v5  }
0xad: {  	v7 =	vld [tilespmem:s19+$0xC100]  }
0xae: {  	v5 =	vadd.f32 v5, v8;
	v3 =	vmul.f32 v6, v3;
	v6, _, _ =	vpop (xrf0)  }
0xaf: {  	(v2sf) =	vpush v6, $0xF  }
0xb0: {  	v2 =	vmul.f32 v10, v2;
	v3 =	vadd.f32 v3, v5;
	_ =	sdelay $0x1  }
0xb1: {  	v2 =	vadd.f32 v2, v3;
	v3 =	vmul.f32 v7, v4;
	_ =	sdelay $0x1  }
0xb2: {  	v2 =	vadd.f32 v3, v2;
	v3 =	vsel vm8, $0x0, v0  }
0xb3: {  	(xrf2) =	vadd.scan.msk.f32 $0xffff, v3;
	v3 =	vsel vm9, $0x0, v0;
	s20 =	spop (v2sf)  }
0xb4: {  	[tilespmem:s31+$0x10100] =	vst v2;
	(xrf2) =	vadd.scan.msk.f32 $0xffff, v3;
	v2 =	vsel vm10, $0x0, v0;
	s18 =	sshll.u32 s20, $0xB;
	s21 =	spop (v2sf)  }
0xb5: {  	(xrf2) =	vadd.scan.msk.f32 $0xffff, v2;
	v2 =	vsel vm11, $0x0, v0;
	s18 =	sand.u32 $0x1FFFF800, s18;
	s24 =	sshll.u32 s21, $0xB  }
0xb6: {  	s23 =	simm.s32 $0x0;
	(xrf2) =	vadd.scan.msk.f32 $0xffff, v2;
	s22 =	sadd.s32 s5, s18;
	s17 =	sand.u32 $0x1FFFF800, s24  }
0xb7: {  	[tilespmem:s10], [sflag:$0x1] =	stream.linear.gather [hbm4b:s22+s23], $0x4000, $0x38;
	[tilespmem:$0x11100] =	vst v63  }
0xb8: {  	s17 =	sadd.s32 s5, s17;
	s25 =	spop (v2sf)  }
0xb9: {  	[tilespmem:s11], [sflag:$0x1] =	stream.linear.gather [hbm4b:s17+s23], $0x4000, $0x38;
	[tilespmem:$0x11100] =	vst v63  }
0xba: {  	s26 =	sshll.u32 s25, $0xB  }
0xbb: {  	s17 =	sand.u32 $0x1FFFF800, s26  }
0xbc: {  	s28 =	spop (v2sf);
	s17 =	sadd.s32 s5, s17  }
0xbd: {  	[tilespmem:s12], [sflag:$0x1] =	stream.linear.gather [hbm4b:s17+s23], $0x4000, $0x38;
	[tilespmem:$0x11100] =	vst v63  }
0xbe: {  	v2, _, _ =	vpop (xrf2);
	s29 =	sshll.u32 s28, $0xB  }
0xbf: {  	v3, _, _ =	vpop (xrf2);
	s17 =	sand.u32 $0x1FFFF800, s29  }
0xc0: {  	v4, _, _ =	vpop (xrf2);
	s17 =	sadd.s32 s5, s17  }
0xc1: {  	v6, _, _ =	vpop (xrf2);
	[tilespmem:s13], [sflag:$0x1] =	stream.linear.gather [hbm4b:s17+s23], $0x4000, $0x38;
	[tilespmem:$0x11100] =	vst v63  }
0xc2: {  	_ =	swait.ge [sflag:s14], $0x4000  }
0xc3: {  	[sflag:s14] =	ssyncset.done $0x0  }
0xc4: {  	[sflag:s14] =	ssyncadd.s32 $0xFFFFC000  }
0xc5: {  	_ =	swait.ge [sflag:s14], $0x4000  }
0xc6: {  	[sflag:s14] =	ssyncset.done $0x0  }
0xc7: {  	[sflag:s14] =	ssyncadd.s32 $0xFFFFC000  }
0xc8: {  	_ =	swait.ge [sflag:s14], $0x4000  }
0xc9: {  	[sflag:s14] =	ssyncset.done $0x0  }
0xca: {  	[sflag:s14] =	ssyncadd.s32 $0xFFFFC000  }
0xcb: {  	_ =	swait.ge [sflag:s14], $0x4000  }
0xcc: {  	s30 =	sand.u32 $0x10, s23;
	s18 =	sand.u32 $0x3F80, s23;
	[sflag:s14] =	ssyncset.done $0x0  }
0xcd: {  	s18 =	sor.u32 s30, s18;
	[sflag:s14] =	ssyncadd.s32 $0xFFFFC000  }
0xce: {  	s17 =	simm.s32 $0x0;
	v7 =	vld [tilespmem:s18+$0x100]  }
0xcf: {  	v8 =	vld [tilespmem:s17+$0x10100]  }
0xd0: {  	v62 =	vld [tilespmem:s18+$0x4100]  }
0xd1: {  	v5 =	vbroadcast v2, $0xF  }
0xd2: {  	v63 =	vld [tilespmem:s18+$0x8100]  }
0xd3: {  	v3 =	vbroadcast v3, $0xF;
	v7 =	vmul.f32 v7, v5  }
0xd4: {  	v11 =	vld [tilespmem:s18+$0xC100]  }
0xd5: {  	v2 =	vbroadcast v4, $0xF;
	v7 =	vadd.f32 v7, v8;
	v8 =	vmul.f32 v62, v3;
	_ =	sdelay $0x1  }
0xd6: {  	v4 =	vbroadcast v6, $0xF;
	v6 =	vadd.f32 v8, v7;
	v7 =	vmul.f32 v63, v2;
	_ =	sdelay $0x1  }
0xd7: {  	v6 =	vadd.f32 v7, v6;
	v7 =	vmul.f32 v11, v4;
	_ =	sdelay $0x1  }
0xd8: {  	s31 =	simm.s32 $0x10;
	s18 =	simm.s32 $0x40;
	v6 =	vadd.f32 v7, v6  }
0xd9: {  	s19 =	simm.s32 $0x20;
	s20 =	sand.u32 $0x10, s31;
	s21 =	sand.u32 $0x3F80, s18  }
.LBB2_7:
0xda: {  	p0 =	sne.s32 s19, $0xFF0;
	s20 =	sor.u32 s20, s21;
	[tilespmem:s17+$0x10100] =	vst v6  }
0xdb: {  	s17 =	sshra.s32 s18, $0x2;
	v6 =	vld [tilespmem:s20+$0x100]  }
0xdc: {  	v7 =	vld [tilespmem:s17+$0x10100]  }
0xdd: {  	v8 =	vld [tilespmem:s20+$0x4100];
	_ =	sdelay $0x1  }
0xde: {  	v9 =	vld [tilespmem:s20+$0x8100]  }
0xdf: {  	v6 =	vmul.f32 v6, v5  }
0xe0: {  	v10 =	vld [tilespmem:s20+$0xC100]  }
0xe1: {  	v6 =	vadd.f32 v6, v7;
	v7 =	vmul.f32 v8, v3;
	_ =	sdelay $0x1  }
0xe2: {  	v6 =	vadd.f32 v7, v6;
	v7 =	vmul.f32 v9, v2  }
.Ltmp3:
0xe3: {  	(pc) =	sbr.rel @p0 .LBB2_7-.Ltmp3, $3  }
0xe4: {  	v6 =	vadd.f32 v7, v6;
	v7 =	vmul.f32 v10, v4;
	_ =	sdelay $0x1  }
0xe5: {  	s18 =	sadd.s32 $0x40, s18;
	v6 =	vadd.f32 v7, v6  }
0xe6: {  	s21 =	sand.u32 $0x3F80, s18;
	s20 =	sand.u32 $0x10, s19;
	s19 =	sadd.s32 $0x10, s19  }
0xe7: {  	v7 =	vsel vm12, $0x0, v1  }
0xe8: {  	(xrf0) =	vadd.scan.msk.s32 $0xffff, v7  }
0xe9: {  	v7 =	vsel vm13, $0x0, v1  }
0xea: {  	(xrf0) =	vadd.scan.msk.s32 $0xffff, v7;
	_ =	sdelay $0x2  }
0xeb: {  	v8 =	vsel vm14, $0x0, v1  }
0xec: {  	v7, _, _ =	vpop (xrf0);
	(xrf0) =	vadd.scan.msk.s32 $0xffff, v8;
	_ =	sdelay $0x1  }
0xed: {  	s19 =	sor.u32 s20, s21;
	[tilespmem:s17+$0x10100] =	vst v6;
	v1 =	vsel vm15, $0x0, v1;
	(v2sf) =	vpush v7, $0xF;
	v6, _, _ =	vpop (xrf0)  }
0xee: {  	v7 =	vld [tilespmem:s19+$0x100];
	(xrf0) =	vadd.scan.msk.s32 $0xffff, v1;
	(v2sf) =	vpush v6, $0xF  }
0xef: {  	s31 =	sshra.s32 s18, $0x2;
	v1 =	vld [tilespmem:s19+$0x4100]  }
0xf0: {  	v6 =	vld [tilespmem:s31+$0x10100]  }
0xf1: {  	v8, _, _ =	vpop (xrf0)  }
0xf2: {  	v62 =	vld [tilespmem:s19+$0x8100];
	(v2sf) =	vpush v8, $0xF  }
0xf3: {  	v5 =	vmul.f32 v7, v5  }
0xf4: {  	v7 =	vld [tilespmem:s19+$0xC100];
	v1 =	vmul.f32 v1, v3;
	v3, _, _ =	vpop (xrf0)  }
0xf5: {  	v5 =	vadd.f32 v5, v6;
	(v2sf) =	vpush v3, $0xF;
	_ =	sdelay $0x1  }
0xf6: {  	v2 =	vmul.f32 v62, v2;
	v1 =	vadd.f32 v1, v5;
	_ =	sdelay $0x1  }
0xf7: {  	v1 =	vadd.f32 v2, v1;
	v2 =	vmul.f32 v7, v4;
	_ =	sdelay $0x1  }
0xf8: {  	v1 =	vadd.f32 v2, v1;
	v2 =	vsel vm12, $0x0, v0  }
0xf9: {  	(xrf2) =	vadd.scan.msk.f32 $0xffff, v2;
	v2 =	vsel vm13, $0x0, v0;
	s20 =	spop (v2sf)  }
0xfa: {  	[tilespmem:s31+$0x10100] =	vst v1;
	(xrf2) =	vadd.scan.msk.f32 $0xffff, v2;
	v1 =	vsel vm14, $0x0, v0;
	s18 =	sshll.u32 s20, $0xB;
	s21 =	spop (v2sf)  }
0xfb: {  	v0 =	vsel vm15, $0x0, v0;
	(xrf2) =	vadd.scan.msk.f32 $0xffff, v1;
	s18 =	sand.u32 $0x1FFFF800, s18;
	s24 =	sshll.u32 s21, $0xB  }
0xfc: {  	s23 =	simm.s32 $0x0;
	(xrf2) =	vadd.scan.msk.f32 $0xffff, v0;
	s22 =	sadd.s32 s5, s18;
	s17 =	sand.u32 $0x1FFFF800, s24  }
0xfd: {  	[tilespmem:s10], [sflag:$0x1] =	stream.linear.gather [hbm4b:s22+s23], $0x4000, $0x38;
	[tilespmem:$0x11100] =	vst v63  }
0xfe: {  	s17 =	sadd.s32 s5, s17;
	s25 =	spop (v2sf)  }
0xff: {  	[tilespmem:s11], [sflag:$0x1] =	stream.linear.gather [hbm4b:s17+s23], $0x4000, $0x38;
	[tilespmem:$0x11100] =	vst v63  }
0x100: {  	s26 =	sshll.u32 s25, $0xB  }
0x101: {  	s28 =	spop (v2sf);
	s17 =	sand.u32 $0x1FFFF800, s26  }
0x102: {  	s29 =	sshll.u32 s28, $0xB;
	s17 =	sadd.s32 s5, s17  }
0x103: {  	v0, _, _ =	vpop (xrf2);
	[tilespmem:s12], [sflag:$0x1] =	stream.linear.gather [hbm4b:s17+s23], $0x4000, $0x38;
	[tilespmem:$0x11100] =	vst v63  }
0x104: {  	v2, _, _ =	vpop (xrf2);
	s17 =	sand.u32 $0x1FFFF800, s29  }
0x105: {  	v3, _, _ =	vpop (xrf2);
	s17 =	sadd.s32 s5, s17  }
0x106: {  	v4, _, _ =	vpop (xrf2);
	[tilespmem:s13], [sflag:$0x1] =	stream.linear.gather [hbm4b:s17+s23], $0x4000, $0x38;
	[tilespmem:$0x11100] =	vst v63  }
0x107: {  	_ =	swait.ge [sflag:s14], $0x4000  }
0x108: {  	[sflag:s14] =	ssyncset.done $0x0  }
0x109: {  	[sflag:s14] =	ssyncadd.s32 $0xFFFFC000  }
0x10a: {  	_ =	swait.ge [sflag:s14], $0x4000  }
0x10b: {  	[sflag:s14] =	ssyncset.done $0x0  }
0x10c: {  	[sflag:s14] =	ssyncadd.s32 $0xFFFFC000  }
0x10d: {  	_ =	swait.ge [sflag:s14], $0x4000  }
0x10e: {  	[sflag:s14] =	ssyncset.done $0x0  }
0x10f: {  	[sflag:s14] =	ssyncadd.s32 $0xFFFFC000  }
0x110: {  	_ =	swait.ge [sflag:s14], $0x4000  }
0x111: {  	s30 =	sand.u32 $0x10, s23;
	s18 =	sand.u32 $0x3F80, s23;
	[sflag:s14] =	ssyncset.done $0x0  }
0x112: {  	s18 =	sor.u32 s30, s18;
	[sflag:s14] =	ssyncadd.s32 $0xFFFFC000  }
0x113: {  	s17 =	simm.s32 $0x0;
	v5 =	vld [tilespmem:s18+$0x100]  }
0x114: {  	v6 =	vld [tilespmem:s17+$0x10100]  }
0x115: {  	v7 =	vld [tilespmem:s18+$0x4100]  }
0x116: {  	v1 =	vbroadcast v0, $0xF  }
0x117: {  	v63 =	vld [tilespmem:s18+$0x8100]  }
0x118: {  	v0 =	vbroadcast v2, $0xF;
	v5 =	vmul.f32 v5, v1  }
0x119: {  	v9 =	vld [tilespmem:s18+$0xC100]  }
0x11a: {  	v2 =	vbroadcast v3, $0xF;
	v5 =	vadd.f32 v5, v6;
	v6 =	vmul.f32 v7, v0;
	_ =	sdelay $0x1  }
0x11b: {  	v3 =	vbroadcast v4, $0xF;
	v4 =	vadd.f32 v6, v5;
	v5 =	vmul.f32 v63, v2;
	_ =	sdelay $0x1  }
0x11c: {  	v4 =	vadd.f32 v5, v4;
	v5 =	vmul.f32 v9, v3;
	_ =	sdelay $0x1  }
0x11d: {  	s31 =	simm.s32 $0x10;
	s18 =	simm.s32 $0x40;
	v4 =	vadd.f32 v5, v4  }
0x11e: {  	s19 =	simm.s32 $0x20;
	s20 =	sand.u32 $0x10, s31;
	s21 =	sand.u32 $0x3F80, s18  }
.LBB2_9:
0x11f: {  	p0 =	sne.s32 s19, $0xFF0;
	s20 =	sor.u32 s20, s21;
	[tilespmem:s17+$0x10100] =	vst v4  }
0x120: {  	s17 =	sshra.s32 s18, $0x2;
	v4 =	vld [tilespmem:s20+$0x100]  }
0x121: {  	v5 =	vld [tilespmem:s17+$0x10100]  }
0x122: {  	v6 =	vld [tilespmem:s20+$0x4100];
	_ =	sdelay $0x1  }
0x123: {  	v7 =	vld [tilespmem:s20+$0x8100]  }
0x124: {  	v4 =	vmul.f32 v4, v1  }
0x125: {  	v8 =	vld [tilespmem:s20+$0xC100]  }
0x126: {  	v4 =	vadd.f32 v4, v5;
	v5 =	vmul.f32 v6, v0;
	_ =	sdelay $0x1  }
0x127: {  	v4 =	vadd.f32 v5, v4;
	v5 =	vmul.f32 v7, v2  }
.Ltmp4:
0x128: {  	(pc) =	sbr.rel @p0 .LBB2_9-.Ltmp4, $3  }
0x129: {  	v4 =	vadd.f32 v5, v4;
	v5 =	vmul.f32 v8, v3;
	_ =	sdelay $0x1  }
0x12a: {  	s18 =	sadd.s32 $0x40, s18;
	v4 =	vadd.f32 v5, v4  }
0x12b: {  	s21 =	sand.u32 $0x3F80, s18;
	s20 =	sand.u32 $0x10, s19;
	s19 =	sadd.s32 $0x10, s19  }
0x12c: {  	s19 =	sor.u32 s20, s21;
	[tilespmem:s17+$0x10100] =	vst v4  }
0x12d: {  	s31 =	sshra.s32 s18, $0x2;
	v4 =	vld [tilespmem:s19+$0x100]  }
0x12e: {  	v5 =	vld [tilespmem:s31+$0x10100]  }
0x12f: {  	v6 =	vld [tilespmem:s19+$0x4100];
	_ =	sdelay $0x1  }
0x130: {  	v7 =	vld [tilespmem:s19+$0x8100]  }
0x131: {  	v1 =	vmul.f32 v4, v1  }
0x132: {  	v61 =	vld [tilespmem:s19+$0xC100]  }
0x133: {  	v0 =	vmul.f32 v6, v0;
	v1 =	vadd.f32 v1, v5;
	_ =	sdelay $0x1  }
0x134: {  	v62 =	vmul.f32 v7, v2;
	v0 =	vadd.f32 v0, v1;
	_ =	sdelay $0x1  }
0x135: {  	v63 =	vmul.f32 v61, v3;
	v0 =	vadd.f32 v62, v0;
	_ =	sdelay $0x1  }
0x136: {  	s16 =	sadd.s32 $0x1, s16;
	v0 =	vadd.f32 v63, v0  }
0x137: {  	p0 =	sne.s32 s16, s7  }
.Ltmp5:
0x138: {  	[tilespmem:s31+$0x10100] =	vst v0;
	(pc) =	sbr.rel @p0 .LBB2_2-.Ltmp5, $4  }
0x139: {  	[hbm4b:s6+s3] =	stream.linear.scatter [tilespmem:s15], [sflag:$0x2], $0x1000, $0x38;
	[tilespmem:$0x11100] =	vst v63  }
0x13a: {  	_ =	swait.ge [sflag:s8], $0x1000  }
0x13b: {  	[sflag:s8] =	ssyncset.done $0x0  }
0x13c: {  	[sflag:s8] =	ssyncadd.s32 $0xFFFFF000  }
.LBB2_11:
0x13d: {  	_ =	sfence.sel $0x180000  }
0x13e: {  	[bflag:$0x0] =	sbarrier.arrive $0xFFFF  }
0x13f: {  	p0 =	sne.s32 s1, $0x0;
	_ =	strace $0x90000047  }
0x140: {  	s0 =	sadd.s32 @!p0 $0x100000, s0;
	[bflag:$0x2] =	sbarrier.arrive $0xFFFF  }
0x141: {  	[sflag:s0] =	ssyncadd.tile.s32 @!p0 $0x1;
	_ =	shalt  }
.Lfunc_end2:
_tile_overlayer_lowered:
.L_overlay_start_2:
0x142: {  	(tag) =	ssettag $0x2  }
0x143: {  	s0 =	rddreg [dreg:$0x0];
	s2 =	stileid.u32  }
0x144: {  	s1 =	rddreg [dreg:$0x1];
	p0 =	sne.s32 s2, $0x0  }
0x145: {  	s3 =	rddreg [dreg:$0x2];
	[bflag:$0x3] =	sbarrier.arrive $0xFFFF;
	s2 =	simm.s32 @!p0 $0x1C02  }
0x146: {  	[timem:s3], [sflag:s2] =	dma.local @!p0 [hbm:s0], s1  }
0x147: {  	s0 =	simm.s32 @!p0 $0x2  }
0x148: {  	_ =	swait.ge @!p0 [sflag:s0], s1  }
0x149: {  	s1 =	ssub.s32 @!p0 $0x0, s1;
	[sflag:s0] =	ssyncset.done @!p0 $0x0  }
0x14a: {  	[sflag:s0] =	ssyncadd.s32 @!p0 s1  }
0x14b: {  	[bflag:$0x3] =	sbarrier.arrive $0xFFFF  }
0x14c: {  	_ =	shalt  }

</sc_bundles>
